<compile_context>
chip_gen: v7x
topology: tpu7x:2x2x1
jax: 0.10.2.dev20260603
libtpu: 0.0.44.dev20260713+nightly
codegen_flags: <defaults>
</compile_context>

<pallas_src>
import functools

import jax
import jax.numpy as jnp
from jax import lax
from jax.experimental import pallas as pl
from jax.experimental.pallas import tpu as pltpu
from jax.experimental.pallas import tpu_sc as plsc

_D = 64
_NC = 2
_NS = 16
_NW = _NC * _NS
_K = 512
_SUBI = 128
_SUB = _K // _SUBI


@functools.lru_cache(maxsize=None)
def _make_lookup(NB: int, NH: int, V: int):
    B = NB * NH
    bpw = NB // _NW
    assert bpw == _K and NH % 2 == 0
    mesh = plsc.VectorSubcoreMesh(core_axis_name="c", subcore_axis_name="s")

    @functools.partial(
        pl.kernel,
        out_type=jax.ShapeDtypeStruct((B * _D,), jnp.float32),
        mesh=mesh,
        compiler_params=pltpu.CompilerParams(
            needs_layout_passes=False, use_tc_tiling_on_sc=False),
        scratch_types=[
            pltpu.VMEM((NH, _K), jnp.int32),
            pltpu.VMEM((2, _K, _D), jnp.int8),
            pltpu.VMEM((2, _K * _D), jnp.float32),
            pltpu.VMEM((16,), jnp.float32),
            pltpu.SemaphoreType.DMA,
            pltpu.SemaphoreType.DMA,
            pltpu.SemaphoreType.DMA,
            pltpu.SemaphoreType.DMA,
        ],
    )
    def lookup(idx_hbm, tbl_hbm, inv_hbm, out_hbm,
               idx_v, raw_v, out_v, inv_v, gsem0, gsem1, osem0, osem1):
        wid = lax.axis_index("s") * _NC + lax.axis_index("c")
        gsem = (gsem0, gsem1)
        osem = (osem0, osem1)
        pltpu.sync_copy(inv_hbm, inv_v)
        pltpu.sync_copy(idx_hbm.at[:, pl.ds(wid * _K, _K)], idx_v)
        inv = inv_v[...]
        iot4 = lax.iota(jnp.int32, 16) * 4

        def issue_gather(g, b):
            for s in range(_SUB):
                pltpu.make_async_copy(
                    tbl_hbm.at[idx_v.at[g, pl.ds(s * _SUBI, _SUBI)]],
                    raw_v.at[b, pl.ds(s * _SUBI, _SUBI)],
                    gsem[b]).start()

        def wait_gather(b):
            pltpu.make_async_copy(
                tbl_hbm.at[pl.ds(0, _K)], raw_v.at[b], gsem[b]).wait()

        def issue_out(g, b):
            pltpu.make_async_copy(
                out_v.at[b],
                out_hbm.at[pl.ds((g * NB + wid * _K) * _D, _K * _D)],
                osem[b]).start()

        def wait_out(b):
            pltpu.make_async_copy(
                out_v.at[b], out_hbm.at[pl.ds(0, _K * _D)], osem[b]).wait()

        def compute(b):
            def quad_body(r4, c2):
                for u in range(4):
                    r = r4 * 4 + u
                    words = plsc.bitcast(raw_v[b, r], jnp.int32)
                    rbase = iot4 + r * _D
                    for k in range(4):
                        if k < 3:
                            byte = (words << (24 - 8 * k)) >> 24
                        else:
                            byte = words >> 24
                        val = byte.astype(jnp.float32) * inv
                        plsc.store_scatter(out_v.at[b], [rbase + k], val)
                return c2
            lax.fori_loop(0, _K // 4, quad_body, 0)

        issue_gather(0, 0)

        def pair_body(t, carry):
            for b in range(2):
                g = 2 * t + b

                @pl.when(g + 1 < NH)
                def _():
                    issue_gather(g + 1, 1 - b)

                wait_gather(b)

                @pl.when(g >= 2)
                def _():
                    wait_out(b)

                compute(b)
                issue_out(g, b)
            return carry

        lax.fori_loop(0, NH // 2, pair_body, 0)
        wait_out(0)
        wait_out(1)

    return lookup


@jax.jit
def kernel(x, weight_quant, c):
    batch, hist = x.shape
    idx = x.T.astype(jnp.int32)
    inv = jnp.broadcast_to((1.0 / c).astype(jnp.float32), (16,))
    v = weight_quant.shape[0]
    lookup = _make_lookup(batch, hist, v)
    out = lookup(idx, weight_quant, inv)
    return out.reshape(hist, batch, _D).transpose(1, 0, 2)

# --- scband reference (transcript-rebuilt; emitter-appended) ---
"""Pipeline reference for scband-cpu8bit-absmax-embedding-2181843387078 (READ-ONLY COPY).

The authoritative reference and input builder live on the scoring server;
editing this copy changes nothing except your own understanding.
"""

import jax, jax.numpy as jnp
import numpy as np

NUM_EMBEDDINGS = 1000000
EMBEDDING_DIM = 64
BATCH = 16384
HIST_LEN = 50


def setup_inputs(seed: int = 0) -> dict:
    key = jax.random.key(seed)
    k1, k2 = jax.random.split(key)
    # Source embedding weight (float32), as in nn.Embedding init
    X = jax.random.normal(k1, (NUM_EMBEDDINGS, EMBEDDING_DIM), dtype=jnp.float32) * 0.02
    # Absmax 8-bit quantization, as done in CPU8bitAbsmaxEmbedding.__init__
    absmax = jnp.abs(X).max() + 1e-08
    c = (127.0 / absmax).astype(jnp.float32)
    weight_quant = jnp.round(c * X).astype(jnp.int8)
    x = jax.random.randint(k2, (BATCH, HIST_LEN), 0, NUM_EMBEDDINGS, dtype=jnp.int64)
    return {"x": x, "weight_quant": weight_quant, "c": c}


def reference(x, weight_quant, c):
    # F.embedding(x, weight_quant).to(float32) / c
    emb = jnp.take(weight_quant, x, axis=0).astype(jnp.float32)
    return emb / c

if __name__ == "__main__":
    import jax
    _d = setup_inputs()
    print(jax.jit(kernel)(*tuple(_d.values())))

</pallas_src>

<mosaic_0001>
#map = affine_map<(d0, d1) -> (0, 0)>
#map1 = affine_map<(d0, d1) -> (0)>
module attributes {stable_mosaic.version = 14 : i64} {
  func.func @lookup(%arg0: i32, %arg1: i32, %arg2: memref<50x16384xi32, #tpu.memory_space<hbm>>, %arg3: memref<1000000x64xi8, #tpu.memory_space<hbm>>, %arg4: memref<16xf32, #tpu.memory_space<hbm>>, %arg5: memref<52428800xf32, #tpu.memory_space<hbm>>, %arg6: memref<50x512xi32, #tpu.memory_space<vmem>>, %arg7: memref<2x512x64xi8, #tpu.memory_space<vmem>>, %arg8: memref<2x32768xf32, #tpu.memory_space<vmem>>, %arg9: memref<16xf32, #tpu.memory_space<vmem>>, %arg10: memref<!tpu.dma_semaphore, #tpu.memory_space<semaphore_mem>>, %arg11: memref<!tpu.dma_semaphore, #tpu.memory_space<semaphore_mem>>, %arg12: memref<!tpu.dma_semaphore, #tpu.memory_space<semaphore_mem>>, %arg13: memref<!tpu.dma_semaphore, #tpu.memory_space<semaphore_mem>>) attributes {dimension_semantics = [#tpu.dimension_semantics<core_parallel>, #tpu.dimension_semantics<subcore_parallel>], iteration_bounds = array<i64: 2, 16>, scalar_prefetch = 0 : i64, scratch_operands = 8 : i64, tpu.core_type = #tpu.core_type<sc_vector_subcore>, window_params = [{transform_indices = #map}, {transform_indices = #map}, {transform_indices = #map1}, {transform_indices = #map1}]} {
    %mul3A = arith.constant 2 : i32
    %mul3A_0 = arith.muli %arg1, %mul3A : i32
    %add3A = arith.addi %mul3A_0, %arg0 : i32
    "tpu.region"() ({
      %run_scoped3A = tpu.sem_alloc : memref<!tpu.dma_semaphore, #tpu.memory_space<semaphore_mem>>
      tpu.enqueue_dma source(%arg4 : memref<16xf32, #tpu.memory_space<hbm>>) target(%arg9 : memref<16xf32, #tpu.memory_space<vmem>>) target_semaphore(%run_scoped3A : memref<!tpu.dma_semaphore, #tpu.memory_space<semaphore_mem>>)
      tpu.wait_dma2 semaphore(%run_scoped3A : memref<!tpu.dma_semaphore, #tpu.memory_space<semaphore_mem>>) src(%arg4 : memref<16xf32, #tpu.memory_space<hbm>>) dst(%arg9 : memref<16xf32, #tpu.memory_space<vmem>>)
      tpu.yield
    }) : () -> ()
    %mul3A_1 = arith.constant 512 : i32
    %mul3A_2 = arith.muli %add3A, %mul3A_1 : i32
    "tpu.region"() ({
      %run_scoped3A = tpu.sem_alloc : memref<!tpu.dma_semaphore, #tpu.memory_space<semaphore_mem>>
      %dma_start3A_80 = arith.constant 0 : i32
      %dma_start3A_81 = tpu.memref_slice %arg2[%dma_start3A_80, %mul3A_2] : memref<50x16384xi32, #tpu.memory_space<hbm>> -> memref<50x512xi32, #tpu.memory_space<hbm>>
      %dma_start3A_82 = arith.constant 0 : i32
      %dma_start3A_83 = tpu.memref_slice %arg2[%dma_start3A_82, %mul3A_2] : memref<50x16384xi32, #tpu.memory_space<hbm>> -> memref<50x512xi32, #tpu.memory_space<hbm>>
      tpu.enqueue_dma source(%dma_start3A_83 : memref<50x512xi32, #tpu.memory_space<hbm>>) target(%arg6 : memref<50x512xi32, #tpu.memory_space<vmem>>) target_semaphore(%run_scoped3A : memref<!tpu.dma_semaphore, #tpu.memory_space<semaphore_mem>>)
      %dma_wait3A_84 = arith.constant 0 : i32
      %dma_wait3A_85 = tpu.memref_slice %arg2[%dma_wait3A_84, %mul3A_2] : memref<50x16384xi32, #tpu.memory_space<hbm>> -> memref<50x512xi32, #tpu.memory_space<hbm>>
      %dma_wait3A_86 = arith.constant 0 : i32
      %dma_wait3A_87 = tpu.memref_slice %arg2[%dma_wait3A_86, %mul3A_2] : memref<50x16384xi32, #tpu.memory_space<hbm>> -> memref<50x512xi32, #tpu.memory_space<hbm>>
      tpu.wait_dma2 semaphore(%run_scoped3A : memref<!tpu.dma_semaphore, #tpu.memory_space<semaphore_mem>>) src(%dma_wait3A_87 : memref<50x512xi32, #tpu.memory_space<hbm>>) dst(%arg6 : memref<50x512xi32, #tpu.memory_space<vmem>>)
      tpu.yield
    }) : () -> ()
    %get3A = arith.constant 0 : index
    %get3A_3 = tpu.vector_load %arg9[%get3A] {strides = array<i32>} : memref<16xf32, #tpu.memory_space<vmem>>, vector<16xf32>,
    %iota3A = tpu.iota {dimensions = array<i32: 0>} : vector<16xi32>
    %mul3A_4 = arith.constant 4 : i32
    %mul3A_5 = vector.broadcast %mul3A_4 : i32 to vector<16xi32>
    %mul3A_6 = arith.muli %iota3A, %mul3A_5 : vector<16xi32>
    %dma_start3A = arith.constant 0 : i32
    %dma_start3A_7 = arith.constant 0 : i32
    %dma_start3A_8 = arith.constant 0 : i32
    %dma_start3A_9 = arith.constant 0 : i32
    %dma_start3A_10 = tpu.memref_slice %arg7[%dma_start3A_7, %dma_start3A_8, %dma_start3A_9] : memref<2x512x64xi8, #tpu.memory_space<vmem>> -> memref<1x128x64xi8, #tpu.memory_space<vmem>>
    %dma_start3A_11 = tpu.memref_squeeze %dma_start3A_10 : memref<1x128x64xi8, #tpu.memory_space<vmem>> -> memref<128x64xi8, #tpu.memory_space<vmem>>
    %dma_start3A_12 = arith.constant 0 : i32
    %dma_start3A_13 = tpu.memref_slice %arg6[%dma_start3A, %dma_start3A_12] : memref<50x512xi32, #tpu.memory_space<vmem>> -> memref<1x128xi32, #tpu.memory_space<vmem>>
    %dma_start3A_14 = tpu.memref_squeeze %dma_start3A_13 : memref<1x128xi32, #tpu.memory_space<vmem>> -> memref<128xi32, #tpu.memory_space<vmem>>
    %dma_start3A_15 = arith.constant 0 : i32
    %dma_start3A_16 = arith.constant 0 : i32
    %dma_start3A_17 = tpu.memref_slice %arg3[%dma_start3A_15, %dma_start3A_16] : memref<1000000x64xi8, #tpu.memory_space<hbm>> -> memref<1000000x64xi8, #tpu.memory_space<hbm>>
    tpu.enqueue_indirect_dma source(%dma_start3A_17 : memref<1000000x64xi8, #tpu.memory_space<hbm>>) target(%dma_start3A_11 : memref<128x64xi8, #tpu.memory_space<vmem>>) offsets(%dma_start3A_14 : memref<128xi32, #tpu.memory_space<vmem>>) semaphore(%arg10 : memref<!tpu.dma_semaphore, #tpu.memory_space<semaphore_mem>>)
    %dma_start3A_18 = arith.constant 0 : i32
    %dma_start3A_19 = arith.constant 0 : i32
    %dma_start3A_20 = arith.constant 128 : i32
    %dma_start3A_21 = arith.constant 0 : i32
    %dma_start3A_22 = tpu.memref_slice %arg7[%dma_start3A_19, %dma_start3A_20, %dma_start3A_21] : memref<2x512x64xi8, #tpu.memory_space<vmem>> -> memref<1x128x64xi8, #tpu.memory_space<vmem>>
    %dma_start3A_23 = tpu.memref_squeeze %dma_start3A_22 : memref<1x128x64xi8, #tpu.memory_space<vmem>> -> memref<128x64xi8, #tpu.memory_space<vmem>>
    %dma_start3A_24 = arith.constant 128 : i32
    %dma_start3A_25 = tpu.memref_slice %arg6[%dma_start3A_18, %dma_start3A_24] : memref<50x512xi32, #tpu.memory_space<vmem>> -> memref<1x128xi32, #tpu.memory_space<vmem>>
    %dma_start3A_26 = tpu.memref_squeeze %dma_start3A_25 : memref<1x128xi32, #tpu.memory_space<vmem>> -> memref<128xi32, #tpu.memory_space<vmem>>
    %dma_start3A_27 = arith.constant 0 : i32
    %dma_start3A_28 = arith.constant 0 : i32
    %dma_start3A_29 = tpu.memref_slice %arg3[%dma_start3A_27, %dma_start3A_28] : memref<1000000x64xi8, #tpu.memory_space<hbm>> -> memref<1000000x64xi8, #tpu.memory_space<hbm>>
    tpu.enqueue_indirect_dma source(%dma_start3A_29 : memref<1000000x64xi8, #tpu.memory_space<hbm>>) target(%dma_start3A_23 : memref<128x64xi8, #tpu.memory_space<vmem>>) offsets(%dma_start3A_26 : memref<128xi32, #tpu.memory_space<vmem>>) semaphore(%arg10 : memref<!tpu.dma_semaphore, #tpu.memory_space<semaphore_mem>>)
    %dma_start3A_30 = arith.constant 0 : i32
    %dma_start3A_31 = arith.constant 0 : i32
    %dma_start3A_32 = arith.constant 256 : i32
    %dma_start3A_33 = arith.constant 0 : i32
    %dma_start3A_34 = tpu.memref_slice %arg7[%dma_start3A_31, %dma_start3A_32, %dma_start3A_33] : memref<2x512x64xi8, #tpu.memory_space<vmem>> -> memref<1x128x64xi8, #tpu.memory_space<vmem>>
    %dma_start3A_35 = tpu.memref_squeeze %dma_start3A_34 : memref<1x128x64xi8, #tpu.memory_space<vmem>> -> memref<128x64xi8, #tpu.memory_space<vmem>>
    %dma_start3A_36 = arith.constant 256 : i32
    %dma_start3A_37 = tpu.memref_slice %arg6[%dma_start3A_30, %dma_start3A_36] : memref<50x512xi32, #tpu.memory_space<vmem>> -> memref<1x128xi32, #tpu.memory_space<vmem>>
    %dma_start3A_38 = tpu.memref_squeeze %dma_start3A_37 : memref<1x128xi32, #tpu.memory_space<vmem>> -> memref<128xi32, #tpu.memory_space<vmem>>
    %dma_start3A_39 = arith.constant 0 : i32
    %dma_start3A_40 = arith.constant 0 : i32
    %dma_start3A_41 = tpu.memref_slice %arg3[%dma_start3A_39, %dma_start3A_40] : memref<1000000x64xi8, #tpu.memory_space<hbm>> -> memref<1000000x64xi8, #tpu.memory_space<hbm>>
    tpu.enqueue_indirect_dma source(%dma_start3A_41 : memref<1000000x64xi8, #tpu.memory_space<hbm>>) target(%dma_start3A_35 : memref<128x64xi8, #tpu.memory_space<vmem>>) offsets(%dma_start3A_38 : memref<128xi32, #tpu.memory_space<vmem>>) semaphore(%arg10 : memref<!tpu.dma_semaphore, #tpu.memory_space<semaphore_mem>>)
    %dma_start3A_42 = arith.constant 0 : i32
    %dma_start3A_43 = arith.constant 0 : i32
    %dma_start3A_44 = arith.constant 384 : i32
    %dma_start3A_45 = arith.constant 0 : i32
    %dma_start3A_46 = tpu.memref_slice %arg7[%dma_start3A_43, %dma_start3A_44, %dma_start3A_45] : memref<2x512x64xi8, #tpu.memory_space<vmem>> -> memref<1x128x64xi8, #tpu.memory_space<vmem>>
    %dma_start3A_47 = tpu.memref_squeeze %dma_start3A_46 : memref<1x128x64xi8, #tpu.memory_space<vmem>> -> memref<128x64xi8, #tpu.memory_space<vmem>>
    %dma_start3A_48 = arith.constant 384 : i32
    %dma_start3A_49 = tpu.memref_slice %arg6[%dma_start3A_42, %dma_start3A_48] : memref<50x512xi32, #tpu.memory_space<vmem>> -> memref<1x128xi32, #tpu.memory_space<vmem>>
    %dma_start3A_50 = tpu.memref_squeeze %dma_start3A_49 : memref<1x128xi32, #tpu.memory_space<vmem>> -> memref<128xi32, #tpu.memory_space<vmem>>
    %dma_start3A_51 = arith.constant 0 : i32
    %dma_start3A_52 = arith.constant 0 : i32
    %dma_start3A_53 = tpu.memref_slice %arg3[%dma_start3A_51, %dma_start3A_52] : memref<1000000x64xi8, #tpu.memory_space<hbm>> -> memref<1000000x64xi8, #tpu.memory_space<hbm>>
    tpu.enqueue_indirect_dma source(%dma_start3A_53 : memref<1000000x64xi8, #tpu.memory_space<hbm>>) target(%dma_start3A_47 : memref<128x64xi8, #tpu.memory_space<vmem>>) offsets(%dma_start3A_50 : memref<128xi32, #tpu.memory_space<vmem>>) semaphore(%arg10 : memref<!tpu.dma_semaphore, #tpu.memory_space<semaphore_mem>>)
    %scan3A = arith.constant 0 : i32
    %scan3A_54 = arith.constant 0 : i32
    %scan3A_55 = arith.constant 25 : i32
    %scan3A_56 = arith.addi %scan3A_54, %scan3A_55 : i32
    %scan3A_57 = arith.constant 1 : i32
    scf.for %scan3A_80 = %scan3A_54 to %scan3A_56 step %scan3A_57  : i32 {
      %mul3A_81 = arith.constant 2 : i32
      %mul3A_82 = arith.muli %mul3A_81, %scan3A_80 : i32
      %add3A_83 = arith.constant 0 : i32
      %add3A_84 = arith.addi %mul3A_82, %add3A_83 : i32
      %add3A_85 = arith.constant 1 : i32
      %add3A_86 = arith.addi %add3A_84, %add3A_85 : i32
      %lt3A = arith.constant 50 : i32
      %lt3A_87 = arith.cmpi slt, %add3A_86, %lt3A : i32
      %convert_element_type3A = arith.extui %lt3A_87 : i1 to i32
      %cond3A = arith.constant 0 : i32
      %cond3A_88 = arith.cmpi ne, %convert_element_type3A, %cond3A : i32
      scf.if %cond3A_88 {
        %add3A_183 = arith.constant 1 : i32
        %add3A_184 = arith.addi %add3A_84, %add3A_183 : i32
        %dma_start3A_185 = arith.constant 1 : i32
        %dma_start3A_186 = arith.constant 0 : i32
        %dma_start3A_187 = arith.constant 0 : i32
        %dma_start3A_188 = tpu.memref_slice %arg7[%dma_start3A_185, %dma_start3A_186, %dma_start3A_187] : memref<2x512x64xi8, #tpu.memory_space<vmem>> -> memref<1x128x64xi8, #tpu.memory_space<vmem>>
        %dma_start3A_189 = tpu.memref_squeeze %dma_start3A_188 : memref<1x128x64xi8, #tpu.memory_space<vmem>> -> memref<128x64xi8, #tpu.memory_space<vmem>>
        %dma_start3A_190 = arith.constant 0 : i32
        %dma_start3A_191 = tpu.memref_slice %arg6[%add3A_184, %dma_start3A_190] : memref<50x512xi32, #tpu.memory_space<vmem>> -> memref<1x128xi32, #tpu.memory_space<vmem>>
        %dma_start3A_192 = tpu.memref_squeeze %dma_start3A_191 : memref<1x128xi32, #tpu.memory_space<vmem>> -> memref<128xi32, #tpu.memory_space<vmem>>
        %dma_start3A_193 = arith.constant 0 : i32
        %dma_start3A_194 = arith.constant 0 : i32
        %dma_start3A_195 = tpu.memref_slice %arg3[%dma_start3A_193, %dma_start3A_194] : memref<1000000x64xi8, #tpu.memory_space<hbm>> -> memref<1000000x64xi8, #tpu.memory_space<hbm>>
        tpu.enqueue_indirect_dma source(%dma_start3A_195 : memref<1000000x64xi8, #tpu.memory_space<hbm>>) target(%dma_start3A_189 : memref<128x64xi8, #tpu.memory_space<vmem>>) offsets(%dma_start3A_192 : memref<128xi32, #tpu.memory_space<vmem>>) semaphore(%arg11 : memref<!tpu.dma_semaphore, #tpu.memory_space<semaphore_mem>>)
        %dma_start3A_196 = arith.constant 1 : i32
        %dma_start3A_197 = arith.constant 128 : i32
        %dma_start3A_198 = arith.constant 0 : i32
        %dma_start3A_199 = tpu.memref_slice %arg7[%dma_start3A_196, %dma_start3A_197, %dma_start3A_198] : memref<2x512x64xi8, #tpu.memory_space<vmem>> -> memref<1x128x64xi8, #tpu.memory_space<vmem>>
        %dma_start3A_200 = tpu.memref_squeeze %dma_start3A_199 : memref<1x128x64xi8, #tpu.memory_space<vmem>> -> memref<128x64xi8, #tpu.memory_space<vmem>>
        %dma_start3A_201 = arith.constant 128 : i32
        %dma_start3A_202 = tpu.memref_slice %arg6[%add3A_184, %dma_start3A_201] : memref<50x512xi32, #tpu.memory_space<vmem>> -> memref<1x128xi32, #tpu.memory_space<vmem>>
        %dma_start3A_203 = tpu.memref_squeeze %dma_start3A_202 : memref<1x128xi32, #tpu.memory_space<vmem>> -> memref<128xi32, #tpu.memory_space<vmem>>
        %dma_start3A_204 = arith.constant 0 : i32
        %dma_start3A_205 = arith.constant 0 : i32
        %dma_start3A_206 = tpu.memref_slice %arg3[%dma_start3A_204, %dma_start3A_205] : memref<1000000x64xi8, #tpu.memory_space<hbm>> -> memref<1000000x64xi8, #tpu.memory_space<hbm>>
        tpu.enqueue_indirect_dma source(%dma_start3A_206 : memref<1000000x64xi8, #tpu.memory_space<hbm>>) target(%dma_start3A_200 : memref<128x64xi8, #tpu.memory_space<vmem>>) offsets(%dma_start3A_203 : memref<128xi32, #tpu.memory_space<vmem>>) semaphore(%arg11 : memref<!tpu.dma_semaphore, #tpu.memory_space<semaphore_mem>>)
        %dma_start3A_207 = arith.constant 1 : i32
        %dma_start3A_208 = arith.constant 256 : i32
        %dma_start3A_209 = arith.constant 0 : i32
        %dma_start3A_210 = tpu.memref_slice %arg7[%dma_start3A_207, %dma_start3A_208, %dma_start3A_209] : memref<2x512x64xi8, #tpu.memory_space<vmem>> -> memref<1x128x64xi8, #tpu.memory_space<vmem>>
        %dma_start3A_211 = tpu.memref_squeeze %dma_start3A_210 : memref<1x128x64xi8, #tpu.memory_space<vmem>> -> memref<128x64xi8, #tpu.memory_space<vmem>>
        %dma_start3A_212 = arith.constant 256 : i32
        %dma_start3A_213 = tpu.memref_slice %arg6[%add3A_184, %dma_start3A_212] : memref<50x512xi32, #tpu.memory_space<vmem>> -> memref<1x128xi32, #tpu.memory_space<vmem>>
        %dma_start3A_214 = tpu.memref_squeeze %dma_start3A_213 : memref<1x128xi32, #tpu.memory_space<vmem>> -> memref<128xi32, #tpu.memory_space<vmem>>
        %dma_start3A_215 = arith.constant 0 : i32
        %dma_start3A_216 = arith.constant 0 : i32
        %dma_start3A_217 = tpu.memref_slice %arg3[%dma_start3A_215, %dma_start3A_216] : memref<1000000x64xi8, #tpu.memory_space<hbm>> -> memref<1000000x64xi8, #tpu.memory_space<hbm>>
        tpu.enqueue_indirect_dma source(%dma_start3A_217 : memref<1000000x64xi8, #tpu.memory_space<hbm>>) target(%dma_start3A_211 : memref<128x64xi8, #tpu.memory_space<vmem>>) offsets(%dma_start3A_214 : memref<128xi32, #tpu.memory_space<vmem>>) semaphore(%arg11 : memref<!tpu.dma_semaphore, #tpu.memory_space<semaphore_mem>>)
        %dma_start3A_218 = arith.constant 1 : i32
        %dma_start3A_219 = arith.constant 384 : i32
        %dma_start3A_220 = arith.constant 0 : i32
        %dma_start3A_221 = tpu.memref_slice %arg7[%dma_start3A_218, %dma_start3A_219, %dma_start3A_220] : memref<2x512x64xi8, #tpu.memory_space<vmem>> -> memref<1x128x64xi8, #tpu.memory_space<vmem>>
        %dma_start3A_222 = tpu.memref_squeeze %dma_start3A_221 : memref<1x128x64xi8, #tpu.memory_space<vmem>> -> memref<128x64xi8, #tpu.memory_space<vmem>>
        %dma_start3A_223 = arith.constant 384 : i32
        %dma_start3A_224 = tpu.memref_slice %arg6[%add3A_184, %dma_start3A_223] : memref<50x512xi32, #tpu.memory_space<vmem>> -> memref<1x128xi32, #tpu.memory_space<vmem>>
        %dma_start3A_225 = tpu.memref_squeeze %dma_start3A_224 : memref<1x128xi32, #tpu.memory_space<vmem>> -> memref<128xi32, #tpu.memory_space<vmem>>
        %dma_start3A_226 = arith.constant 0 : i32
        %dma_start3A_227 = arith.constant 0 : i32
        %dma_start3A_228 = tpu.memref_slice %arg3[%dma_start3A_226, %dma_start3A_227] : memref<1000000x64xi8, #tpu.memory_space<hbm>> -> memref<1000000x64xi8, #tpu.memory_space<hbm>>
        tpu.enqueue_indirect_dma source(%dma_start3A_228 : memref<1000000x64xi8, #tpu.memory_space<hbm>>) target(%dma_start3A_222 : memref<128x64xi8, #tpu.memory_space<vmem>>) offsets(%dma_start3A_225 : memref<128xi32, #tpu.memory_space<vmem>>) semaphore(%arg11 : memref<!tpu.dma_semaphore, #tpu.memory_space<semaphore_mem>>)
      } else {
      }
      %dma_wait3A_89 = arith.constant 0 : i32
      %dma_wait3A_90 = arith.constant 0 : i32
      %dma_wait3A_91 = arith.constant 0 : i32
      %dma_wait3A_92 = tpu.memref_slice %arg7[%dma_wait3A_89, %dma_wait3A_90, %dma_wait3A_91] : memref<2x512x64xi8, #tpu.memory_space<vmem>> -> memref<1x512x64xi8, #tpu.memory_space<vmem>>
      %dma_wait3A_93 = tpu.memref_squeeze %dma_wait3A_92 : memref<1x512x64xi8, #tpu.memory_space<vmem>> -> memref<512x64xi8, #tpu.memory_space<vmem>>
      %dma_wait3A_94 = arith.constant 0 : i32
      %dma_wait3A_95 = arith.constant 0 : i32
      %dma_wait3A_96 = tpu.memref_slice %arg3[%dma_wait3A_94, %dma_wait3A_95] : memref<1000000x64xi8, #tpu.memory_space<hbm>> -> memref<512x64xi8, #tpu.memory_space<hbm>>
      %dma_wait3A_97 = arith.constant 0 : i32
      %dma_wait3A_98 = arith.constant 0 : i32
      %dma_wait3A_99 = tpu.memref_slice %arg7[%dma_wait3A_89, %dma_wait3A_97, %dma_wait3A_98] : memref<2x512x64xi8, #tpu.memory_space<vmem>> -> memref<1x512x64xi8, #tpu.memory_space<vmem>>
      %dma_wait3A_100 = tpu.memref_squeeze %dma_wait3A_99 : memref<1x512x64xi8, #tpu.memory_space<vmem>> -> memref<512x64xi8, #tpu.memory_space<vmem>>
      %dma_wait3A_101 = arith.constant 0 : i32
      %dma_wait3A_102 = arith.constant 0 : i32
      %dma_wait3A_103 = tpu.memref_slice %arg3[%dma_wait3A_101, %dma_wait3A_102] : memref<1000000x64xi8, #tpu.memory_space<hbm>> -> memref<512x64xi8, #tpu.memory_space<hbm>>
      tpu.wait_dma2 semaphore(%arg10 : memref<!tpu.dma_semaphore, #tpu.memory_space<semaphore_mem>>) src(%dma_wait3A_103 : memref<512x64xi8, #tpu.memory_space<hbm>>) dst(%dma_wait3A_100 : memref<512x64xi8, #tpu.memory_space<vmem>>)
      %ge3A = arith.constant 2 : i32
      %ge3A_104 = arith.cmpi sge, %add3A_84, %ge3A : i32
      %convert_element_type3A_105 = arith.extui %ge3A_104 : i1 to i32
      %cond3A_106 = arith.constant 0 : i32
      %cond3A_107 = arith.cmpi ne, %convert_element_type3A_105, %cond3A_106 : i32
      scf.if %cond3A_107 {
        %dma_wait3A_183 = arith.constant 0 : i32
        %dma_wait3A_184 = arith.constant 0 : i32
        %dma_wait3A_185 = tpu.memref_slice %arg8[%dma_wait3A_183, %dma_wait3A_184] : memref<2x32768xf32, #tpu.memory_space<vmem>> -> memref<1x32768xf32, #tpu.memory_space<vmem>>
        %dma_wait3A_186 = tpu.memref_squeeze %dma_wait3A_185 : memref<1x32768xf32, #tpu.memory_space<vmem>> -> memref<32768xf32, #tpu.memory_space<vmem>>
        %dma_wait3A_187 = arith.constant 0 : i32
        %dma_wait3A_188 = tpu.memref_slice %arg5[%dma_wait3A_187] : memref<52428800xf32, #tpu.memory_space<hbm>> -> memref<32768xf32, #tpu.memory_space<hbm>>
        %dma_wait3A_189 = arith.constant 0 : i32
        %dma_wait3A_190 = tpu.memref_slice %arg5[%dma_wait3A_189] : memref<52428800xf32, #tpu.memory_space<hbm>> -> memref<32768xf32, #tpu.memory_space<hbm>>
        %dma_wait3A_191 = arith.constant 0 : i32
        %dma_wait3A_192 = tpu.memref_slice %arg8[%dma_wait3A_183, %dma_wait3A_191] : memref<2x32768xf32, #tpu.memory_space<vmem>> -> memref<1x32768xf32, #tpu.memory_space<vmem>>
        %dma_wait3A_193 = tpu.memref_squeeze %dma_wait3A_192 : memref<1x32768xf32, #tpu.memory_space<vmem>> -> memref<32768xf32, #tpu.memory_space<vmem>>
        tpu.wait_dma2 semaphore(%arg12 : memref<!tpu.dma_semaphore, #tpu.memory_space<semaphore_mem>>) src(%dma_wait3A_193 : memref<32768xf32, #tpu.memory_space<vmem>>) dst(%dma_wait3A_190 : memref<32768xf32, #tpu.memory_space<hbm>>)
      } else {
      }
      %scan3A_108 = arith.constant 0 : i32
      %scan3A_109 = arith.constant 0 : i32
      %scan3A_110 = arith.constant 128 : i32
      %scan3A_111 = arith.addi %scan3A_109, %scan3A_110 : i32
      %scan3A_112 = arith.constant 1 : i32
      scf.for %scan3A_183 = %scan3A_109 to %scan3A_111 step %scan3A_112  : i32 {
        %mul3A_184 = arith.constant 4 : i32
        %mul3A_185 = arith.muli %scan3A_183, %mul3A_184 : i32
        %add3A_186 = arith.constant 0 : i32
        %add3A_187 = arith.addi %mul3A_185, %add3A_186 : i32
        %get3A_188 = arith.constant 0 : i32
        %get3A_189 = arith.index_cast %get3A_188 : i32 to index
        %get3A_190 = arith.index_cast %add3A_187 : i32 to index
        %get3A_191 = arith.constant 0 : index
        %get3A_192 = tpu.vector_load %arg7[%get3A_189, %get3A_190, %get3A_191] {strides = array<i32>} : memref<2x512x64xi8, #tpu.memory_space<vmem>>, vector<64xi8>,
        %bitcast3A = vector.bitcast %get3A_192 : vector<64xi8> to vector<16xi32>
        %mul3A_193 = arith.constant 64 : i32
        %mul3A_194 = arith.muli %add3A_187, %mul3A_193 : i32
        %add3A_195 = vector.broadcast %mul3A_194 : i32 to vector<16xi32>
        %add3A_196 = arith.addi %mul3A_6, %add3A_195 : vector<16xi32>
        %shift_left3A = arith.constant 24 : i32
        %shift_left3A_197 = vector.broadcast %shift_left3A : i32 to vector<16xi32>
        %shift_left3A_198 = arith.shli %bitcast3A, %shift_left3A_197 : vector<16xi32>
        %shift_right_arithmetic3A = arith.constant 24 : i32
        %shift_right_arithmetic3A_199 = vector.broadcast %shift_right_arithmetic3A : i32 to vector<16xi32>
        %shift_right_arithmetic3A_200 = arith.shrsi %shift_left3A_198, %shift_right_arithmetic3A_199 : vector<16xi32>
        %convert_element_type3A_201 = arith.sitofp %shift_right_arithmetic3A_200 : vector<16xi32> to vector<16xf32>
        %mul3A_202 = arith.mulf %convert_element_type3A_201, %get3A_3 : vector<16xf32>
        %add3A_203 = arith.constant 0 : i32
        %add3A_204 = vector.broadcast %add3A_203 : i32 to vector<16xi32>
        %add3A_205 = arith.addi %add3A_196, %add3A_204 : vector<16xi32>
        %scatter3A = arith.constant 0 : i32
        %scatter3A_206 = arith.constant 0 : i32
        %scatter3A_207 = tpu.memref_slice %arg8[%scatter3A, %scatter3A_206] : memref<2x32768xf32, #tpu.memory_space<vmem>> -> memref<1x32768xf32, #tpu.memory_space<vmem>>
        %scatter3A_208 = tpu.memref_squeeze %scatter3A_207 : memref<1x32768xf32, #tpu.memory_space<vmem>> -> memref<32768xf32, #tpu.memory_space<vmem>>
        tpu.vector_store_idx %scatter3A_208[%add3A_205], %mul3A_202 : memref<32768xf32, #tpu.memory_space<vmem>>[vector<16xi32>], vector<16xf32>,
        %shift_left3A_209 = arith.constant 16 : i32
        %shift_left3A_210 = vector.broadcast %shift_left3A_209 : i32 to vector<16xi32>
        %shift_left3A_211 = arith.shli %bitcast3A, %shift_left3A_210 : vector<16xi32>
        %shift_right_arithmetic3A_212 = arith.constant 24 : i32
        %shift_right_arithmetic3A_213 = vector.broadcast %shift_right_arithmetic3A_212 : i32 to vector<16xi32>
        %shift_right_arithmetic3A_214 = arith.shrsi %shift_left3A_211, %shift_right_arithmetic3A_213 : vector<16xi32>
        %convert_element_type3A_215 = arith.sitofp %shift_right_arithmetic3A_214 : vector<16xi32> to vector<16xf32>
        %mul3A_216 = arith.mulf %convert_element_type3A_215, %get3A_3 : vector<16xf32>
        %add3A_217 = arith.constant 1 : i32
        %add3A_218 = vector.broadcast %add3A_217 : i32 to vector<16xi32>
        %add3A_219 = arith.addi %add3A_196, %add3A_218 : vector<16xi32>
        %scatter3A_220 = arith.constant 0 : i32
        %scatter3A_221 = arith.constant 0 : i32
        %scatter3A_222 = tpu.memref_slice %arg8[%scatter3A_220, %scatter3A_221] : memref<2x32768xf32, #tpu.memory_space<vmem>> -> memref<1x32768xf32, #tpu.memory_space<vmem>>
        %scatter3A_223 = tpu.memref_squeeze %scatter3A_222 : memref<1x32768xf32, #tpu.memory_space<vmem>> -> memref<32768xf32, #tpu.memory_space<vmem>>
        tpu.vector_store_idx %scatter3A_223[%add3A_219], %mul3A_216 : memref<32768xf32, #tpu.memory_space<vmem>>[vector<16xi32>], vector<16xf32>,
        %shift_left3A_224 = arith.constant 8 : i32
        %shift_left3A_225 = vector.broadcast %shift_left3A_224 : i32 to vector<16xi32>
        %shift_left3A_226 = arith.shli %bitcast3A, %shift_left3A_225 : vector<16xi32>
        %shift_right_arithmetic3A_227 = arith.constant 24 : i32
        %shift_right_arithmetic3A_228 = vector.broadcast %shift_right_arithmetic3A_227 : i32 to vector<16xi32>
        %shift_right_arithmetic3A_229 = arith.shrsi %shift_left3A_226, %shift_right_arithmetic3A_228 : vector<16xi32>
        %convert_element_type3A_230 = arith.sitofp %shift_right_arithmetic3A_229 : vector<16xi32> to vector<16xf32>
        %mul3A_231 = arith.mulf %convert_element_type3A_230, %get3A_3 : vector<16xf32>
        %add3A_232 = arith.constant 2 : i32
        %add3A_233 = vector.broadcast %add3A_232 : i32 to vector<16xi32>
        %add3A_234 = arith.addi %add3A_196, %add3A_233 : vector<16xi32>
        %scatter3A_235 = arith.constant 0 : i32
        %scatter3A_236 = arith.constant 0 : i32
        %scatter3A_237 = tpu.memref_slice %arg8[%scatter3A_235, %scatter3A_236] : memref<2x32768xf32, #tpu.memory_space<vmem>> -> memref<1x32768xf32, #tpu.memory_space<vmem>>
        %scatter3A_238 = tpu.memref_squeeze %scatter3A_237 : memref<1x32768xf32, #tpu.memory_space<vmem>> -> memref<32768xf32, #tpu.memory_space<vmem>>
        tpu.vector_store_idx %scatter3A_238[%add3A_234], %mul3A_231 : memref<32768xf32, #tpu.memory_space<vmem>>[vector<16xi32>], vector<16xf32>,
        %shift_right_arithmetic3A_239 = arith.constant 24 : i32
        %shift_right_arithmetic3A_240 = vector.broadcast %shift_right_arithmetic3A_239 : i32 to vector<16xi32>
        %shift_right_arithmetic3A_241 = arith.shrsi %bitcast3A, %shift_right_arithmetic3A_240 : vector<16xi32>
        %convert_element_type3A_242 = arith.sitofp %shift_right_arithmetic3A_241 : vector<16xi32> to vector<16xf32>
        %mul3A_243 = arith.mulf %convert_element_type3A_242, %get3A_3 : vector<16xf32>
        %add3A_244 = arith.constant 3 : i32
        %add3A_245 = vector.broadcast %add3A_244 : i32 to vector<16xi32>
        %add3A_246 = arith.addi %add3A_196, %add3A_245 : vector<16xi32>
        %scatter3A_247 = arith.constant 0 : i32
        %scatter3A_248 = arith.constant 0 : i32
        %scatter3A_249 = tpu.memref_slice %arg8[%scatter3A_247, %scatter3A_248] : memref<2x32768xf32, #tpu.memory_space<vmem>> -> memref<1x32768xf32, #tpu.memory_space<vmem>>
        %scatter3A_250 = tpu.memref_squeeze %scatter3A_249 : memref<1x32768xf32, #tpu.memory_space<vmem>> -> memref<32768xf32, #tpu.memory_space<vmem>>
        tpu.vector_store_idx %scatter3A_250[%add3A_246], %mul3A_243 : memref<32768xf32, #tpu.memory_space<vmem>>[vector<16xi32>], vector<16xf32>,
        %mul3A_251 = arith.constant 4 : i32
        %mul3A_252 = arith.muli %scan3A_183, %mul3A_251 : i32
        %add3A_253 = arith.constant 1 : i32
        %add3A_254 = arith.addi %mul3A_252, %add3A_253 : i32
        %get3A_255 = arith.constant 0 : i32
        %get3A_256 = arith.index_cast %get3A_255 : i32 to index
        %get3A_257 = arith.index_cast %add3A_254 : i32 to index
        %get3A_258 = arith.constant 0 : index
        %get3A_259 = tpu.vector_load %arg7[%get3A_256, %get3A_257, %get3A_258] {strides = array<i32>} : memref<2x512x64xi8, #tpu.memory_space<vmem>>, vector<64xi8>,
        %bitcast3A_260 = vector.bitcast %get3A_259 : vector<64xi8> to vector<16xi32>
        %mul3A_261 = arith.constant 64 : i32
        %mul3A_262 = arith.muli %add3A_254, %mul3A_261 : i32
        %add3A_263 = vector.broadcast %mul3A_262 : i32 to vector<16xi32>
        %add3A_264 = arith.addi %mul3A_6, %add3A_263 : vector<16xi32>
        %shift_left3A_265 = arith.constant 24 : i32
        %shift_left3A_266 = vector.broadcast %shift_left3A_265 : i32 to vector<16xi32>
        %shift_left3A_267 = arith.shli %bitcast3A_260, %shift_left3A_266 : vector<16xi32>
        %shift_right_arithmetic3A_268 = arith.constant 24 : i32
        %shift_right_arithmetic3A_269 = vector.broadcast %shift_right_arithmetic3A_268 : i32 to vector<16xi32>
        %shift_right_arithmetic3A_270 = arith.shrsi %shift_left3A_267, %shift_right_arithmetic3A_269 : vector<16xi32>
        %convert_element_type3A_271 = arith.sitofp %shift_right_arithmetic3A_270 : vector<16xi32> to vector<16xf32>
        %mul3A_272 = arith.mulf %convert_element_type3A_271, %get3A_3 : vector<16xf32>
        %add3A_273 = arith.constant 0 : i32
        %add3A_274 = vector.broadcast %add3A_273 : i32 to vector<16xi32>
        %add3A_275 = arith.addi %add3A_264, %add3A_274 : vector<16xi32>
        %scatter3A_276 = arith.constant 0 : i32
        %scatter3A_277 = arith.constant 0 : i32
        %scatter3A_278 = tpu.memref_slice %arg8[%scatter3A_276, %scatter3A_277] : memref<2x32768xf32, #tpu.memory_space<vmem>> -> memref<1x32768xf32, #tpu.memory_space<vmem>>
        %scatter3A_279 = tpu.memref_squeeze %scatter3A_278 : memref<1x32768xf32, #tpu.memory_space<vmem>> -> memref<32768xf32, #tpu.memory_space<vmem>>
        tpu.vector_store_idx %scatter3A_279[%add3A_275], %mul3A_272 : memref<32768xf32, #tpu.memory_space<vmem>>[vector<16xi32>], vector<16xf32>,
        %shift_left3A_280 = arith.constant 16 : i32
        %shift_left3A_281 = vector.broadcast %shift_left3A_280 : i32 to vector<16xi32>
        %shift_left3A_282 = arith.shli %bitcast3A_260, %shift_left3A_281 : vector<16xi32>
        %shift_right_arithmetic3A_283 = arith.constant 24 : i32
        %shift_right_arithmetic3A_284 = vector.broadcast %shift_right_arithmetic3A_283 : i32 to vector<16xi32>
        %shift_right_arithmetic3A_285 = arith.shrsi %shift_left3A_282, %shift_right_arithmetic3A_284 : vector<16xi32>
        %convert_element_type3A_286 = arith.sitofp %shift_right_arithmetic3A_285 : vector<16xi32> to vector<16xf32>
        %mul3A_287 = arith.mulf %convert_element_type3A_286, %get3A_3 : vector<16xf32>
        %add3A_288 = arith.constant 1 : i32
        %add3A_289 = vector.broadcast %add3A_288 : i32 to vector<16xi32>
        %add3A_290 = arith.addi %add3A_264, %add3A_289 : vector<16xi32>
        %scatter3A_291 = arith.constant 0 : i32
        %scatter3A_292 = arith.constant 0 : i32
        %scatter3A_293 = tpu.memref_slice %arg8[%scatter3A_291, %scatter3A_292] : memref<2x32768xf32, #tpu.memory_space<vmem>> -> memref<1x32768xf32, #tpu.memory_space<vmem>>
        %scatter3A_294 = tpu.memref_squeeze %scatter3A_293 : memref<1x32768xf32, #tpu.memory_space<vmem>> -> memref<32768xf32, #tpu.memory_space<vmem>>
        tpu.vector_store_idx %scatter3A_294[%add3A_290], %mul3A_287 : memref<32768xf32, #tpu.memory_space<vmem>>[vector<16xi32>], vector<16xf32>,
        %shift_left3A_295 = arith.constant 8 : i32
        %shift_left3A_296 = vector.broadcast %shift_left3A_295 : i32 to vector<16xi32>
        %shift_left3A_297 = arith.shli %bitcast3A_260, %shift_left3A_296 : vector<16xi32>
        %shift_right_arithmetic3A_298 = arith.constant 24 : i32
        %shift_right_arithmetic3A_299 = vector.broadcast %shift_right_arithmetic3A_298 : i32 to vector<16xi32>
        %shift_right_arithmetic3A_300 = arith.shrsi %shift_left3A_297, %shift_right_arithmetic3A_299 : vector<16xi32>
        %convert_element_type3A_301 = arith.sitofp %shift_right_arithmetic3A_300 : vector<16xi32> to vector<16xf32>
        %mul3A_302 = arith.mulf %convert_element_type3A_301, %get3A_3 : vector<16xf32>
        %add3A_303 = arith.constant 2 : i32
        %add3A_304 = vector.broadcast %add3A_303 : i32 to vector<16xi32>
        %add3A_305 = arith.addi %add3A_264, %add3A_304 : vector<16xi32>
        %scatter3A_306 = arith.constant 0 : i32
        %scatter3A_307 = arith.constant 0 : i32
        %scatter3A_308 = tpu.memref_slice %arg8[%scatter3A_306, %scatter3A_307] : memref<2x32768xf32, #tpu.memory_space<vmem>> -> memref<1x32768xf32, #tpu.memory_space<vmem>>
        %scatter3A_309 = tpu.memref_squeeze %scatter3A_308 : memref<1x32768xf32, #tpu.memory_space<vmem>> -> memref<32768xf32, #tpu.memory_space<vmem>>
        tpu.vector_store_idx %scatter3A_309[%add3A_305], %mul3A_302 : memref<32768xf32, #tpu.memory_space<vmem>>[vector<16xi32>], vector<16xf32>,
        %shift_right_arithmetic3A_310 = arith.constant 24 : i32
        %shift_right_arithmetic3A_311 = vector.broadcast %shift_right_arithmetic3A_310 : i32 to vector<16xi32>
        %shift_right_arithmetic3A_312 = arith.shrsi %bitcast3A_260, %shift_right_arithmetic3A_311 : vector<16xi32>
        %convert_element_type3A_313 = arith.sitofp %shift_right_arithmetic3A_312 : vector<16xi32> to vector<16xf32>
        %mul3A_314 = arith.mulf %convert_element_type3A_313, %get3A_3 : vector<16xf32>
        %add3A_315 = arith.constant 3 : i32
        %add3A_316 = vector.broadcast %add3A_315 : i32 to vector<16xi32>
        %add3A_317 = arith.addi %add3A_264, %add3A_316 : vector<16xi32>
        %scatter3A_318 = arith.constant 0 : i32
        %scatter3A_319 = arith.constant 0 : i32
        %scatter3A_320 = tpu.memref_slice %arg8[%scatter3A_318, %scatter3A_319] : memref<2x32768xf32, #tpu.memory_space<vmem>> -> memref<1x32768xf32, #tpu.memory_space<vmem>>
        %scatter3A_321 = tpu.memref_squeeze %scatter3A_320 : memref<1x32768xf32, #tpu.memory_space<vmem>> -> memref<32768xf32, #tpu.memory_space<vmem>>
        tpu.vector_store_idx %scatter3A_321[%add3A_317], %mul3A_314 : memref<32768xf32, #tpu.memory_space<vmem>>[vector<16xi32>], vector<16xf32>,
        %mul3A_322 = arith.constant 4 : i32
        %mul3A_323 = arith.muli %scan3A_183, %mul3A_322 : i32
        %add3A_324 = arith.constant 2 : i32
        %add3A_325 = arith.addi %mul3A_323, %add3A_324 : i32
        %get3A_326 = arith.constant 0 : i32
        %get3A_327 = arith.index_cast %get3A_326 : i32 to index
        %get3A_328 = arith.index_cast %add3A_325 : i32 to index
        %get3A_329 = arith.constant 0 : index
        %get3A_330 = tpu.vector_load %arg7[%get3A_327, %get3A_328, %get3A_329] {strides = array<i32>} : memref<2x512x64xi8, #tpu.memory_space<vmem>>, vector<64xi8>,
        %bitcast3A_331 = vector.bitcast %get3A_330 : vector<64xi8> to vector<16xi32>
        %mul3A_332 = arith.constant 64 : i32
        %mul3A_333 = arith.muli %add3A_325, %mul3A_332 : i32
        %add3A_334 = vector.broadcast %mul3A_333 : i32 to vector<16xi32>
        %add3A_335 = arith.addi %mul3A_6, %add3A_334 : vector<16xi32>
        %shift_left3A_336 = arith.constant 24 : i32
        %shift_left3A_337 = vector.broadcast %shift_left3A_336 : i32 to vector<16xi32>
        %shift_left3A_338 = arith.shli %bitcast3A_331, %shift_left3A_337 : vector<16xi32>
        %shift_right_arithmetic3A_339 = arith.constant 24 : i32
        %shift_right_arithmetic3A_340 = vector.broadcast %shift_right_arithmetic3A_339 : i32 to vector<16xi32>
        %shift_right_arithmetic3A_341 = arith.shrsi %shift_left3A_338, %shift_right_arithmetic3A_340 : vector<16xi32>
        %convert_element_type3A_342 = arith.sitofp %shift_right_arithmetic3A_341 : vector<16xi32> to vector<16xf32>
        %mul3A_343 = arith.mulf %convert_element_type3A_342, %get3A_3 : vector<16xf32>
        %add3A_344 = arith.constant 0 : i32
        %add3A_345 = vector.broadcast %add3A_344 : i32 to vector<16xi32>
        %add3A_346 = arith.addi %add3A_335, %add3A_345 : vector<16xi32>
        %scatter3A_347 = arith.constant 0 : i32
        %scatter3A_348 = arith.constant 0 : i32
        %scatter3A_349 = tpu.memref_slice %arg8[%scatter3A_347, %scatter3A_348] : memref<2x32768xf32, #tpu.memory_space<vmem>> -> memref<1x32768xf32, #tpu.memory_space<vmem>>
        %scatter3A_350 = tpu.memref_squeeze %scatter3A_349 : memref<1x32768xf32, #tpu.memory_space<vmem>> -> memref<32768xf32, #tpu.memory_space<vmem>>
        tpu.vector_store_idx %scatter3A_350[%add3A_346], %mul3A_343 : memref<32768xf32, #tpu.memory_space<vmem>>[vector<16xi32>], vector<16xf32>,
        %shift_left3A_351 = arith.constant 16 : i32
        %shift_left3A_352 = vector.broadcast %shift_left3A_351 : i32 to vector<16xi32>
        %shift_left3A_353 = arith.shli %bitcast3A_331, %shift_left3A_352 : vector<16xi32>
        %shift_right_arithmetic3A_354 = arith.constant 24 : i32
        %shift_right_arithmetic3A_355 = vector.broadcast %shift_right_arithmetic3A_354 : i32 to vector<16xi32>
        %shift_right_arithmetic3A_356 = arith.shrsi %shift_left3A_353, %shift_right_arithmetic3A_355 : vector<16xi32>
        %convert_element_type3A_357 = arith.sitofp %shift_right_arithmetic3A_356 : vector<16xi32> to vector<16xf32>
        %mul3A_358 = arith.mulf %convert_element_type3A_357, %get3A_3 : vector<16xf32>
        %add3A_359 = arith.constant 1 : i32
        %add3A_360 = vector.broadcast %add3A_359 : i32 to vector<16xi32>
        %add3A_361 = arith.addi %add3A_335, %add3A_360 : vector<16xi32>
        %scatter3A_362 = arith.constant 0 : i32
        %scatter3A_363 = arith.constant 0 : i32
        %scatter3A_364 = tpu.memref_slice %arg8[%scatter3A_362, %scatter3A_363] : memref<2x32768xf32, #tpu.memory_space<vmem>> -> memref<1x32768xf32, #tpu.memory_space<vmem>>
        %scatter3A_365 = tpu.memref_squeeze %scatter3A_364 : memref<1x32768xf32, #tpu.memory_space<vmem>> -> memref<32768xf32, #tpu.memory_space<vmem>>
        tpu.vector_store_idx %scatter3A_365[%add3A_361], %mul3A_358 : memref<32768xf32, #tpu.memory_space<vmem>>[vector<16xi32>], vector<16xf32>,
        %shift_left3A_366 = arith.constant 8 : i32
        %shift_left3A_367 = vector.broadcast %shift_left3A_366 : i32 to vector<16xi32>
        %shift_left3A_368 = arith.shli %bitcast3A_331, %shift_left3A_367 : vector<16xi32>
        %shift_right_arithmetic3A_369 = arith.constant 24 : i32
        %shift_right_arithmetic3A_370 = vector.broadcast %shift_right_arithmetic3A_369 : i32 to vector<16xi32>
        %shift_right_arithmetic3A_371 = arith.shrsi %shift_left3A_368, %shift_right_arithmetic3A_370 : vector<16xi32>
        %convert_element_type3A_372 = arith.sitofp %shift_right_arithmetic3A_371 : vector<16xi32> to vector<16xf32>
        %mul3A_373 = arith.mulf %convert_element_type3A_372, %get3A_3 : vector<16xf32>
        %add3A_374 = arith.constant 2 : i32
        %add3A_375 = vector.broadcast %add3A_374 : i32 to vector<16xi32>
        %add3A_376 = arith.addi %add3A_335, %add3A_375 : vector<16xi32>
        %scatter3A_377 = arith.constant 0 : i32
        %scatter3A_378 = arith.constant 0 : i32
        %scatter3A_379 = tpu.memref_slice %arg8[%scatter3A_377, %scatter3A_378] : memref<2x32768xf32, #tpu.memory_space<vmem>> -> memref<1x32768xf32, #tpu.memory_space<vmem>>
        %scatter3A_380 = tpu.memref_squeeze %scatter3A_379 : memref<1x32768xf32, #tpu.memory_space<vmem>> -> memref<32768xf32, #tpu.memory_space<vmem>>
        tpu.vector_store_idx %scatter3A_380[%add3A_376], %mul3A_373 : memref<32768xf32, #tpu.memory_space<vmem>>[vector<16xi32>], vector<16xf32>,
        %shift_right_arithmetic3A_381 = arith.constant 24 : i32
        %shift_right_arithmetic3A_382 = vector.broadcast %shift_right_arithmetic3A_381 : i32 to vector<16xi32>
        %shift_right_arithmetic3A_383 = arith.shrsi %bitcast3A_331, %shift_right_arithmetic3A_382 : vector<16xi32>
        %convert_element_type3A_384 = arith.sitofp %shift_right_arithmetic3A_383 : vector<16xi32> to vector<16xf32>
        %mul3A_385 = arith.mulf %convert_element_type3A_384, %get3A_3 : vector<16xf32>
        %add3A_386 = arith.constant 3 : i32
        %add3A_387 = vector.broadcast %add3A_386 : i32 to vector<16xi32>
        %add3A_388 = arith.addi %add3A_335, %add3A_387 : vector<16xi32>
        %scatter3A_389 = arith.constant 0 : i32
        %scatter3A_390 = arith.constant 0 : i32
        %scatter3A_391 = tpu.memref_slice %arg8[%scatter3A_389, %scatter3A_390] : memref<2x32768xf32, #tpu.memory_space<vmem>> -> memref<1x32768xf32, #tpu.memory_space<vmem>>
        %scatter3A_392 = tpu.memref_squeeze %scatter3A_391 : memref<1x32768xf32, #tpu.memory_space<vmem>> -> memref<32768xf32, #tpu.memory_space<vmem>>
        tpu.vector_store_idx %scatter3A_392[%add3A_388], %mul3A_385 : memref<32768xf32, #tpu.memory_space<vmem>>[vector<16xi32>], vector<16xf32>,
        %mul3A_393 = arith.constant 4 : i32
        %mul3A_394 = arith.muli %scan3A_183, %mul3A_393 : i32
        %add3A_395 = arith.constant 3 : i32
        %add3A_396 = arith.addi %mul3A_394, %add3A_395 : i32
        %get3A_397 = arith.constant 0 : i32
        %get3A_398 = arith.index_cast %get3A_397 : i32 to index
        %get3A_399 = arith.index_cast %add3A_396 : i32 to index
        %get3A_400 = arith.constant 0 : index
        %get3A_401 = tpu.vector_load %arg7[%get3A_398, %get3A_399, %get3A_400] {strides = array<i32>} : memref<2x512x64xi8, #tpu.memory_space<vmem>>, vector<64xi8>,
        %bitcast3A_402 = vector.bitcast %get3A_401 : vector<64xi8> to vector<16xi32>
        %mul3A_403 = arith.constant 64 : i32
        %mul3A_404 = arith.muli %add3A_396, %mul3A_403 : i32
        %add3A_405 = vector.broadcast %mul3A_404 : i32 to vector<16xi32>
        %add3A_406 = arith.addi %mul3A_6, %add3A_405 : vector<16xi32>
        %shift_left3A_407 = arith.constant 24 : i32
        %shift_left3A_408 = vector.broadcast %shift_left3A_407 : i32 to vector<16xi32>
        %shift_left3A_409 = arith.shli %bitcast3A_402, %shift_left3A_408 : vector<16xi32>
        %shift_right_arithmetic3A_410 = arith.constant 24 : i32
        %shift_right_arithmetic3A_411 = vector.broadcast %shift_right_arithmetic3A_410 : i32 to vector<16xi32>
        %shift_right_arithmetic3A_412 = arith.shrsi %shift_left3A_409, %shift_right_arithmetic3A_411 : vector<16xi32>
        %convert_element_type3A_413 = arith.sitofp %shift_right_arithmetic3A_412 : vector<16xi32> to vector<16xf32>
        %mul3A_414 = arith.mulf %convert_element_type3A_413, %get3A_3 : vector<16xf32>
        %add3A_415 = arith.constant 0 : i32
        %add3A_416 = vector.broadcast %add3A_415 : i32 to vector<16xi32>
        %add3A_417 = arith.addi %add3A_406, %add3A_416 : vector<16xi32>
        %scatter3A_418 = arith.constant 0 : i32
        %scatter3A_419 = arith.constant 0 : i32
        %scatter3A_420 = tpu.memref_slice %arg8[%scatter3A_418, %scatter3A_419] : memref<2x32768xf32, #tpu.memory_space<vmem>> -> memref<1x32768xf32, #tpu.memory_space<vmem>>
        %scatter3A_421 = tpu.memref_squeeze %scatter3A_420 : memref<1x32768xf32, #tpu.memory_space<vmem>> -> memref<32768xf32, #tpu.memory_space<vmem>>
        tpu.vector_store_idx %scatter3A_421[%add3A_417], %mul3A_414 : memref<32768xf32, #tpu.memory_space<vmem>>[vector<16xi32>], vector<16xf32>,
        %shift_left3A_422 = arith.constant 16 : i32
        %shift_left3A_423 = vector.broadcast %shift_left3A_422 : i32 to vector<16xi32>
        %shift_left3A_424 = arith.shli %bitcast3A_402, %shift_left3A_423 : vector<16xi32>
        %shift_right_arithmetic3A_425 = arith.constant 24 : i32
        %shift_right_arithmetic3A_426 = vector.broadcast %shift_right_arithmetic3A_425 : i32 to vector<16xi32>
        %shift_right_arithmetic3A_427 = arith.shrsi %shift_left3A_424, %shift_right_arithmetic3A_426 : vector<16xi32>
        %convert_element_type3A_428 = arith.sitofp %shift_right_arithmetic3A_427 : vector<16xi32> to vector<16xf32>
        %mul3A_429 = arith.mulf %convert_element_type3A_428, %get3A_3 : vector<16xf32>
        %add3A_430 = arith.constant 1 : i32
        %add3A_431 = vector.broadcast %add3A_430 : i32 to vector<16xi32>
        %add3A_432 = arith.addi %add3A_406, %add3A_431 : vector<16xi32>
        %scatter3A_433 = arith.constant 0 : i32
        %scatter3A_434 = arith.constant 0 : i32
        %scatter3A_435 = tpu.memref_slice %arg8[%scatter3A_433, %scatter3A_434] : memref<2x32768xf32, #tpu.memory_space<vmem>> -> memref<1x32768xf32, #tpu.memory_space<vmem>>
        %scatter3A_436 = tpu.memref_squeeze %scatter3A_435 : memref<1x32768xf32, #tpu.memory_space<vmem>> -> memref<32768xf32, #tpu.memory_space<vmem>>
        tpu.vector_store_idx %scatter3A_436[%add3A_432], %mul3A_429 : memref<32768xf32, #tpu.memory_space<vmem>>[vector<16xi32>], vector<16xf32>,
        %shift_left3A_437 = arith.constant 8 : i32
        %shift_left3A_438 = vector.broadcast %shift_left3A_437 : i32 to vector<16xi32>
        %shift_left3A_439 = arith.shli %bitcast3A_402, %shift_left3A_438 : vector<16xi32>
        %shift_right_arithmetic3A_440 = arith.constant 24 : i32
        %shift_right_arithmetic3A_441 = vector.broadcast %shift_right_arithmetic3A_440 : i32 to vector<16xi32>
        %shift_right_arithmetic3A_442 = arith.shrsi %shift_left3A_439, %shift_right_arithmetic3A_441 : vector<16xi32>
        %convert_element_type3A_443 = arith.sitofp %shift_right_arithmetic3A_442 : vector<16xi32> to vector<16xf32>
        %mul3A_444 = arith.mulf %convert_element_type3A_443, %get3A_3 : vector<16xf32>
        %add3A_445 = arith.constant 2 : i32
        %add3A_446 = vector.broadcast %add3A_445 : i32 to vector<16xi32>
        %add3A_447 = arith.addi %add3A_406, %add3A_446 : vector<16xi32>
        %scatter3A_448 = arith.constant 0 : i32
        %scatter3A_449 = arith.constant 0 : i32
        %scatter3A_450 = tpu.memref_slice %arg8[%scatter3A_448, %scatter3A_449] : memref<2x32768xf32, #tpu.memory_space<vmem>> -> memref<1x32768xf32, #tpu.memory_space<vmem>>
        %scatter3A_451 = tpu.memref_squeeze %scatter3A_450 : memref<1x32768xf32, #tpu.memory_space<vmem>> -> memref<32768xf32, #tpu.memory_space<vmem>>
        tpu.vector_store_idx %scatter3A_451[%add3A_447], %mul3A_444 : memref<32768xf32, #tpu.memory_space<vmem>>[vector<16xi32>], vector<16xf32>,
        %shift_right_arithmetic3A_452 = arith.constant 24 : i32
        %shift_right_arithmetic3A_453 = vector.broadcast %shift_right_arithmetic3A_452 : i32 to vector<16xi32>
        %shift_right_arithmetic3A_454 = arith.shrsi %bitcast3A_402, %shift_right_arithmetic3A_453 : vector<16xi32>
        %convert_element_type3A_455 = arith.sitofp %shift_right_arithmetic3A_454 : vector<16xi32> to vector<16xf32>
        %mul3A_456 = arith.mulf %convert_element_type3A_455, %get3A_3 : vector<16xf32>
        %add3A_457 = arith.constant 3 : i32
        %add3A_458 = vector.broadcast %add3A_457 : i32 to vector<16xi32>
        %add3A_459 = arith.addi %add3A_406, %add3A_458 : vector<16xi32>
        %scatter3A_460 = arith.constant 0 : i32
        %scatter3A_461 = arith.constant 0 : i32
        %scatter3A_462 = tpu.memref_slice %arg8[%scatter3A_460, %scatter3A_461] : memref<2x32768xf32, #tpu.memory_space<vmem>> -> memref<1x32768xf32, #tpu.memory_space<vmem>>
        %scatter3A_463 = tpu.memref_squeeze %scatter3A_462 : memref<1x32768xf32, #tpu.memory_space<vmem>> -> memref<32768xf32, #tpu.memory_space<vmem>>
        tpu.vector_store_idx %scatter3A_463[%add3A_459], %mul3A_456 : memref<32768xf32, #tpu.memory_space<vmem>>[vector<16xi32>], vector<16xf32>,
      }
      %scan3A_113 = arith.constant 128 : i32
      %mul3A_114 = arith.constant 16384 : i32
      %mul3A_115 = arith.muli %add3A_84, %mul3A_114 : i32
      %mul3A_116 = arith.constant 512 : i32
      %mul3A_117 = arith.muli %add3A, %mul3A_116 : i32
      %add3A_118 = arith.addi %mul3A_115, %mul3A_117 : i32
      %mul3A_119 = arith.constant 64 : i32
      %mul3A_120 = arith.muli %add3A_118, %mul3A_119 : i32
      %dma_start3A_121 = arith.constant 0 : i32
      %dma_start3A_122 = arith.constant 0 : i32
      %dma_start3A_123 = tpu.memref_slice %arg8[%dma_start3A_121, %dma_start3A_122] : memref<2x32768xf32, #tpu.memory_space<vmem>> -> memref<1x32768xf32, #tpu.memory_space<vmem>>
      %dma_start3A_124 = tpu.memref_squeeze %dma_start3A_123 : memref<1x32768xf32, #tpu.memory_space<vmem>> -> memref<32768xf32, #tpu.memory_space<vmem>>
      %dma_start3A_125 = tpu.memref_slice %arg5[%mul3A_120] : memref<52428800xf32, #tpu.memory_space<hbm>> -> memref<32768xf32, #tpu.memory_space<hbm>>
      %dma_start3A_126 = tpu.memref_slice %arg5[%mul3A_120] : memref<52428800xf32, #tpu.memory_space<hbm>> -> memref<32768xf32, #tpu.memory_space<hbm>>
      %dma_start3A_127 = arith.constant 0 : i32
      %dma_start3A_128 = tpu.memref_slice %arg8[%dma_start3A_121, %dma_start3A_127] : memref<2x32768xf32, #tpu.memory_space<vmem>> -> memref<1x32768xf32, #tpu.memory_space<vmem>>
      %dma_start3A_129 = tpu.memref_squeeze %dma_start3A_128 : memref<1x32768xf32, #tpu.memory_space<vmem>> -> memref<32768xf32, #tpu.memory_space<vmem>>
      tpu.enqueue_dma source(%dma_start3A_129 : memref<32768xf32, #tpu.memory_space<vmem>>) target(%dma_start3A_126 : memref<32768xf32, #tpu.memory_space<hbm>>) target_semaphore(%arg12 : memref<!tpu.dma_semaphore, #tpu.memory_space<semaphore_mem>>)
      %mul3A_130 = arith.constant 2 : i32
      %mul3A_131 = arith.muli %mul3A_130, %scan3A_80 : i32
      %add3A_132 = arith.constant 1 : i32
      %add3A_133 = arith.addi %mul3A_131, %add3A_132 : i32
      %add3A_134 = arith.constant 1 : i32
      %add3A_135 = arith.addi %add3A_133, %add3A_134 : i32
      %lt3A_136 = arith.constant 50 : i32
      %lt3A_137 = arith.cmpi slt, %add3A_135, %lt3A_136 : i32
      %convert_element_type3A_138 = arith.extui %lt3A_137 : i1 to i32
      %cond3A_139 = arith.constant 0 : i32
      %cond3A_140 = arith.cmpi ne, %convert_element_type3A_138, %cond3A_139 : i32
      scf.if %cond3A_140 {
        %add3A_183 = arith.constant 1 : i32
        %add3A_184 = arith.addi %add3A_133, %add3A_183 : i32
        %dma_start3A_185 = arith.constant 0 : i32
        %dma_start3A_186 = arith.constant 0 : i32
        %dma_start3A_187 = arith.constant 0 : i32
        %dma_start3A_188 = tpu.memref_slice %arg7[%dma_start3A_185, %dma_start3A_186, %dma_start3A_187] : memref<2x512x64xi8, #tpu.memory_space<vmem>> -> memref<1x128x64xi8, #tpu.memory_space<vmem>>
        %dma_start3A_189 = tpu.memref_squeeze %dma_start3A_188 : memref<1x128x64xi8, #tpu.memory_space<vmem>> -> memref<128x64xi8, #tpu.memory_space<vmem>>
        %dma_start3A_190 = arith.constant 0 : i32
        %dma_start3A_191 = tpu.memref_slice %arg6[%add3A_184, %dma_start3A_190] : memref<50x512xi32, #tpu.memory_space<vmem>> -> memref<1x128xi32, #tpu.memory_space<vmem>>
        %dma_start3A_192 = tpu.memref_squeeze %dma_start3A_191 : memref<1x128xi32, #tpu.memory_space<vmem>> -> memref<128xi32, #tpu.memory_space<vmem>>
        %dma_start3A_193 = arith.constant 0 : i32
        %dma_start3A_194 = arith.constant 0 : i32
        %dma_start3A_195 = tpu.memref_slice %arg3[%dma_start3A_193, %dma_start3A_194] : memref<1000000x64xi8, #tpu.memory_space<hbm>> -> memref<1000000x64xi8, #tpu.memory_space<hbm>>
        tpu.enqueue_indirect_dma source(%dma_start3A_195 : memref<1000000x64xi8, #tpu.memory_space<hbm>>) target(%dma_start3A_189 : memref<128x64xi8, #tpu.memory_space<vmem>>) offsets(%dma_start3A_192 : memref<128xi32, #tpu.memory_space<vmem>>) semaphore(%arg10 : memref<!tpu.dma_semaphore, #tpu.memory_space<semaphore_mem>>)
        %dma_start3A_196 = arith.constant 0 : i32
        %dma_start3A_197 = arith.constant 128 : i32
        %dma_start3A_198 = arith.constant 0 : i32
        %dma_start3A_199 = tpu.memref_slice %arg7[%dma_start3A_196, %dma_start3A_197, %dma_start3A_198] : memref<2x512x64xi8, #tpu.memory_space<vmem>> -> memref<1x128x64xi8, #tpu.memory_space<vmem>>
        %dma_start3A_200 = tpu.memref_squeeze %dma_start3A_199 : memref<1x128x64xi8, #tpu.memory_space<vmem>> -> memref<128x64xi8, #tpu.memory_space<vmem>>
        %dma_start3A_201 = arith.constant 128 : i32
        %dma_start3A_202 = tpu.memref_slice %arg6[%add3A_184, %dma_start3A_201] : memref<50x512xi32, #tpu.memory_space<vmem>> -> memref<1x128xi32, #tpu.memory_space<vmem>>
        %dma_start3A_203 = tpu.memref_squeeze %dma_start3A_202 : memref<1x128xi32, #tpu.memory_space<vmem>> -> memref<128xi32, #tpu.memory_space<vmem>>
        %dma_start3A_204 = arith.constant 0 : i32
        %dma_start3A_205 = arith.constant 0 : i32
        %dma_start3A_206 = tpu.memref_slice %arg3[%dma_start3A_204, %dma_start3A_205] : memref<1000000x64xi8, #tpu.memory_space<hbm>> -> memref<1000000x64xi8, #tpu.memory_space<hbm>>
        tpu.enqueue_indirect_dma source(%dma_start3A_206 : memref<1000000x64xi8, #tpu.memory_space<hbm>>) target(%dma_start3A_200 : memref<128x64xi8, #tpu.memory_space<vmem>>) offsets(%dma_start3A_203 : memref<128xi32, #tpu.memory_space<vmem>>) semaphore(%arg10 : memref<!tpu.dma_semaphore, #tpu.memory_space<semaphore_mem>>)
        %dma_start3A_207 = arith.constant 0 : i32
        %dma_start3A_208 = arith.constant 256 : i32
        %dma_start3A_209 = arith.constant 0 : i32
        %dma_start3A_210 = tpu.memref_slice %arg7[%dma_start3A_207, %dma_start3A_208, %dma_start3A_209] : memref<2x512x64xi8, #tpu.memory_space<vmem>> -> memref<1x128x64xi8, #tpu.memory_space<vmem>>
        %dma_start3A_211 = tpu.memref_squeeze %dma_start3A_210 : memref<1x128x64xi8, #tpu.memory_space<vmem>> -> memref<128x64xi8, #tpu.memory_space<vmem>>
        %dma_start3A_212 = arith.constant 256 : i32
        %dma_start3A_213 = tpu.memref_slice %arg6[%add3A_184, %dma_start3A_212] : memref<50x512xi32, #tpu.memory_space<vmem>> -> memref<1x128xi32, #tpu.memory_space<vmem>>
        %dma_start3A_214 = tpu.memref_squeeze %dma_start3A_213 : memref<1x128xi32, #tpu.memory_space<vmem>> -> memref<128xi32, #tpu.memory_space<vmem>>
        %dma_start3A_215 = arith.constant 0 : i32
        %dma_start3A_216 = arith.constant 0 : i32
        %dma_start3A_217 = tpu.memref_slice %arg3[%dma_start3A_215, %dma_start3A_216] : memref<1000000x64xi8, #tpu.memory_space<hbm>> -> memref<1000000x64xi8, #tpu.memory_space<hbm>>
        tpu.enqueue_indirect_dma source(%dma_start3A_217 : memref<1000000x64xi8, #tpu.memory_space<hbm>>) target(%dma_start3A_211 : memref<128x64xi8, #tpu.memory_space<vmem>>) offsets(%dma_start3A_214 : memref<128xi32, #tpu.memory_space<vmem>>) semaphore(%arg10 : memref<!tpu.dma_semaphore, #tpu.memory_space<semaphore_mem>>)
        %dma_start3A_218 = arith.constant 0 : i32
        %dma_start3A_219 = arith.constant 384 : i32
        %dma_start3A_220 = arith.constant 0 : i32
        %dma_start3A_221 = tpu.memref_slice %arg7[%dma_start3A_218, %dma_start3A_219, %dma_start3A_220] : memref<2x512x64xi8, #tpu.memory_space<vmem>> -> memref<1x128x64xi8, #tpu.memory_space<vmem>>
        %dma_start3A_222 = tpu.memref_squeeze %dma_start3A_221 : memref<1x128x64xi8, #tpu.memory_space<vmem>> -> memref<128x64xi8, #tpu.memory_space<vmem>>
        %dma_start3A_223 = arith.constant 384 : i32
        %dma_start3A_224 = tpu.memref_slice %arg6[%add3A_184, %dma_start3A_223] : memref<50x512xi32, #tpu.memory_space<vmem>> -> memref<1x128xi32, #tpu.memory_space<vmem>>
        %dma_start3A_225 = tpu.memref_squeeze %dma_start3A_224 : memref<1x128xi32, #tpu.memory_space<vmem>> -> memref<128xi32, #tpu.memory_space<vmem>>
        %dma_start3A_226 = arith.constant 0 : i32
        %dma_start3A_227 = arith.constant 0 : i32
        %dma_start3A_228 = tpu.memref_slice %arg3[%dma_start3A_226, %dma_start3A_227] : memref<1000000x64xi8, #tpu.memory_space<hbm>> -> memref<1000000x64xi8, #tpu.memory_space<hbm>>
        tpu.enqueue_indirect_dma source(%dma_start3A_228 : memref<1000000x64xi8, #tpu.memory_space<hbm>>) target(%dma_start3A_222 : memref<128x64xi8, #tpu.memory_space<vmem>>) offsets(%dma_start3A_225 : memref<128xi32, #tpu.memory_space<vmem>>) semaphore(%arg10 : memref<!tpu.dma_semaphore, #tpu.memory_space<semaphore_mem>>)
      } else {
      }
      %dma_wait3A_141 = arith.constant 1 : i32
      %dma_wait3A_142 = arith.constant 0 : i32
      %dma_wait3A_143 = arith.constant 0 : i32
      %dma_wait3A_144 = tpu.memref_slice %arg7[%dma_wait3A_141, %dma_wait3A_142, %dma_wait3A_143] : memref<2x512x64xi8, #tpu.memory_space<vmem>> -> memref<1x512x64xi8, #tpu.memory_space<vmem>>
      %dma_wait3A_145 = tpu.memref_squeeze %dma_wait3A_144 : memref<1x512x64xi8, #tpu.memory_space<vmem>> -> memref<512x64xi8, #tpu.memory_space<vmem>>
      %dma_wait3A_146 = arith.constant 0 : i32
      %dma_wait3A_147 = arith.constant 0 : i32
      %dma_wait3A_148 = tpu.memref_slice %arg3[%dma_wait3A_146, %dma_wait3A_147] : memref<1000000x64xi8, #tpu.memory_space<hbm>> -> memref<512x64xi8, #tpu.memory_space<hbm>>
      %dma_wait3A_149 = arith.constant 0 : i32
      %dma_wait3A_150 = arith.constant 0 : i32
      %dma_wait3A_151 = tpu.memref_slice %arg7[%dma_wait3A_141, %dma_wait3A_149, %dma_wait3A_150] : memref<2x512x64xi8, #tpu.memory_space<vmem>> -> memref<1x512x64xi8, #tpu.memory_space<vmem>>
      %dma_wait3A_152 = tpu.memref_squeeze %dma_wait3A_151 : memref<1x512x64xi8, #tpu.memory_space<vmem>> -> memref<512x64xi8, #tpu.memory_space<vmem>>
      %dma_wait3A_153 = arith.constant 0 : i32
      %dma_wait3A_154 = arith.constant 0 : i32
      %dma_wait3A_155 = tpu.memref_slice %arg3[%dma_wait3A_153, %dma_wait3A_154] : memref<1000000x64xi8, #tpu.memory_space<hbm>> -> memref<512x64xi8, #tpu.memory_space<hbm>>
      tpu.wait_dma2 semaphore(%arg11 : memref<!tpu.dma_semaphore, #tpu.memory_space<semaphore_mem>>) src(%dma_wait3A_155 : memref<512x64xi8, #tpu.memory_space<hbm>>) dst(%dma_wait3A_152 : memref<512x64xi8, #tpu.memory_space<vmem>>)
      %ge3A_156 = arith.constant 2 : i32
      %ge3A_157 = arith.cmpi sge, %add3A_133, %ge3A_156 : i32
      %convert_element_type3A_158 = arith.extui %ge3A_157 : i1 to i32
      %cond3A_159 = arith.constant 0 : i32
      %cond3A_160 = arith.cmpi ne, %convert_element_type3A_158, %cond3A_159 : i32
      scf.if %cond3A_160 {
        %dma_wait3A_183 = arith.constant 1 : i32
        %dma_wait3A_184 = arith.constant 0 : i32
        %dma_wait3A_185 = tpu.memref_slice %arg8[%dma_wait3A_183, %dma_wait3A_184] : memref<2x32768xf32, #tpu.memory_space<vmem>> -> memref<1x32768xf32, #tpu.memory_space<vmem>>
        %dma_wait3A_186 = tpu.memref_squeeze %dma_wait3A_185 : memref<1x32768xf32, #tpu.memory_space<vmem>> -> memref<32768xf32, #tpu.memory_space<vmem>>
        %dma_wait3A_187 = arith.constant 0 : i32
        %dma_wait3A_188 = tpu.memref_slice %arg5[%dma_wait3A_187] : memref<52428800xf32, #tpu.memory_space<hbm>> -> memref<32768xf32, #tpu.memory_space<hbm>>
        %dma_wait3A_189 = arith.constant 0 : i32
        %dma_wait3A_190 = tpu.memref_slice %arg5[%dma_wait3A_189] : memref<52428800xf32, #tpu.memory_space<hbm>> -> memref<32768xf32, #tpu.memory_space<hbm>>
        %dma_wait3A_191 = arith.constant 0 : i32
        %dma_wait3A_192 = tpu.memref_slice %arg8[%dma_wait3A_183, %dma_wait3A_191] : memref<2x32768xf32, #tpu.memory_space<vmem>> -> memref<1x32768xf32, #tpu.memory_space<vmem>>
        %dma_wait3A_193 = tpu.memref_squeeze %dma_wait3A_192 : memref<1x32768xf32, #tpu.memory_space<vmem>> -> memref<32768xf32, #tpu.memory_space<vmem>>
        tpu.wait_dma2 semaphore(%arg13 : memref<!tpu.dma_semaphore, #tpu.memory_space<semaphore_mem>>) src(%dma_wait3A_193 : memref<32768xf32, #tpu.memory_space<vmem>>) dst(%dma_wait3A_190 : memref<32768xf32, #tpu.memory_space<hbm>>)
      } else {
      }
      %scan3A_161 = arith.constant 0 : i32
      %scan3A_162 = arith.constant 0 : i32
      %scan3A_163 = arith.constant 128 : i32
      %scan3A_164 = arith.addi %scan3A_162, %scan3A_163 : i32
      %scan3A_165 = arith.constant 1 : i32
      scf.for %scan3A_183 = %scan3A_162 to %scan3A_164 step %scan3A_165  : i32 {
        %mul3A_184 = arith.constant 4 : i32
        %mul3A_185 = arith.muli %scan3A_183, %mul3A_184 : i32
        %add3A_186 = arith.constant 0 : i32
        %add3A_187 = arith.addi %mul3A_185, %add3A_186 : i32
        %get3A_188 = arith.constant 1 : i32
        %get3A_189 = arith.index_cast %get3A_188 : i32 to index
        %get3A_190 = arith.index_cast %add3A_187 : i32 to index
        %get3A_191 = arith.constant 0 : index
        %get3A_192 = tpu.vector_load %arg7[%get3A_189, %get3A_190, %get3A_191] {strides = array<i32>} : memref<2x512x64xi8, #tpu.memory_space<vmem>>, vector<64xi8>,
        %bitcast3A = vector.bitcast %get3A_192 : vector<64xi8> to vector<16xi32>
        %mul3A_193 = arith.constant 64 : i32
        %mul3A_194 = arith.muli %add3A_187, %mul3A_193 : i32
        %add3A_195 = vector.broadcast %mul3A_194 : i32 to vector<16xi32>
        %add3A_196 = arith.addi %mul3A_6, %add3A_195 : vector<16xi32>
        %shift_left3A = arith.constant 24 : i32
        %shift_left3A_197 = vector.broadcast %shift_left3A : i32 to vector<16xi32>
        %shift_left3A_198 = arith.shli %bitcast3A, %shift_left3A_197 : vector<16xi32>
        %shift_right_arithmetic3A = arith.constant 24 : i32
        %shift_right_arithmetic3A_199 = vector.broadcast %shift_right_arithmetic3A : i32 to vector<16xi32>
        %shift_right_arithmetic3A_200 = arith.shrsi %shift_left3A_198, %shift_right_arithmetic3A_199 : vector<16xi32>
        %convert_element_type3A_201 = arith.sitofp %shift_right_arithmetic3A_200 : vector<16xi32> to vector<16xf32>
        %mul3A_202 = arith.mulf %convert_element_type3A_201, %get3A_3 : vector<16xf32>
        %add3A_203 = arith.constant 0 : i32
        %add3A_204 = vector.broadcast %add3A_203 : i32 to vector<16xi32>
        %add3A_205 = arith.addi %add3A_196, %add3A_204 : vector<16xi32>
        %scatter3A = arith.constant 1 : i32
        %scatter3A_206 = arith.constant 0 : i32
        %scatter3A_207 = tpu.memref_slice %arg8[%scatter3A, %scatter3A_206] : memref<2x32768xf32, #tpu.memory_space<vmem>> -> memref<1x32768xf32, #tpu.memory_space<vmem>>
        %scatter3A_208 = tpu.memref_squeeze %scatter3A_207 : memref<1x32768xf32, #tpu.memory_space<vmem>> -> memref<32768xf32, #tpu.memory_space<vmem>>
        tpu.vector_store_idx %scatter3A_208[%add3A_205], %mul3A_202 : memref<32768xf32, #tpu.memory_space<vmem>>[vector<16xi32>], vector<16xf32>,
        %shift_left3A_209 = arith.constant 16 : i32
        %shift_left3A_210 = vector.broadcast %shift_left3A_209 : i32 to vector<16xi32>
        %shift_left3A_211 = arith.shli %bitcast3A, %shift_left3A_210 : vector<16xi32>
        %shift_right_arithmetic3A_212 = arith.constant 24 : i32
        %shift_right_arithmetic3A_213 = vector.broadcast %shift_right_arithmetic3A_212 : i32 to vector<16xi32>
        %shift_right_arithmetic3A_214 = arith.shrsi %shift_left3A_211, %shift_right_arithmetic3A_213 : vector<16xi32>
        %convert_element_type3A_215 = arith.sitofp %shift_right_arithmetic3A_214 : vector<16xi32> to vector<16xf32>
        %mul3A_216 = arith.mulf %convert_element_type3A_215, %get3A_3 : vector<16xf32>
        %add3A_217 = arith.constant 1 : i32
        %add3A_218 = vector.broadcast %add3A_217 : i32 to vector<16xi32>
        %add3A_219 = arith.addi %add3A_196, %add3A_218 : vector<16xi32>
        %scatter3A_220 = arith.constant 1 : i32
        %scatter3A_221 = arith.constant 0 : i32
        %scatter3A_222 = tpu.memref_slice %arg8[%scatter3A_220, %scatter3A_221] : memref<2x32768xf32, #tpu.memory_space<vmem>> -> memref<1x32768xf32, #tpu.memory_space<vmem>>
        %scatter3A_223 = tpu.memref_squeeze %scatter3A_222 : memref<1x32768xf32, #tpu.memory_space<vmem>> -> memref<32768xf32, #tpu.memory_space<vmem>>
        tpu.vector_store_idx %scatter3A_223[%add3A_219], %mul3A_216 : memref<32768xf32, #tpu.memory_space<vmem>>[vector<16xi32>], vector<16xf32>,
        %shift_left3A_224 = arith.constant 8 : i32
        %shift_left3A_225 = vector.broadcast %shift_left3A_224 : i32 to vector<16xi32>
        %shift_left3A_226 = arith.shli %bitcast3A, %shift_left3A_225 : vector<16xi32>
        %shift_right_arithmetic3A_227 = arith.constant 24 : i32
        %shift_right_arithmetic3A_228 = vector.broadcast %shift_right_arithmetic3A_227 : i32 to vector<16xi32>
        %shift_right_arithmetic3A_229 = arith.shrsi %shift_left3A_226, %shift_right_arithmetic3A_228 : vector<16xi32>
        %convert_element_type3A_230 = arith.sitofp %shift_right_arithmetic3A_229 : vector<16xi32> to vector<16xf32>
        %mul3A_231 = arith.mulf %convert_element_type3A_230, %get3A_3 : vector<16xf32>
        %add3A_232 = arith.constant 2 : i32
        %add3A_233 = vector.broadcast %add3A_232 : i32 to vector<16xi32>
        %add3A_234 = arith.addi %add3A_196, %add3A_233 : vector<16xi32>
        %scatter3A_235 = arith.constant 1 : i32
        %scatter3A_236 = arith.constant 0 : i32
        %scatter3A_237 = tpu.memref_slice %arg8[%scatter3A_235, %scatter3A_236] : memref<2x32768xf32, #tpu.memory_space<vmem>> -> memref<1x32768xf32, #tpu.memory_space<vmem>>
        %scatter3A_238 = tpu.memref_squeeze %scatter3A_237 : memref<1x32768xf32, #tpu.memory_space<vmem>> -> memref<32768xf32, #tpu.memory_space<vmem>>
        tpu.vector_store_idx %scatter3A_238[%add3A_234], %mul3A_231 : memref<32768xf32, #tpu.memory_space<vmem>>[vector<16xi32>], vector<16xf32>,
        %shift_right_arithmetic3A_239 = arith.constant 24 : i32
        %shift_right_arithmetic3A_240 = vector.broadcast %shift_right_arithmetic3A_239 : i32 to vector<16xi32>
        %shift_right_arithmetic3A_241 = arith.shrsi %bitcast3A, %shift_right_arithmetic3A_240 : vector<16xi32>
        %convert_element_type3A_242 = arith.sitofp %shift_right_arithmetic3A_241 : vector<16xi32> to vector<16xf32>
        %mul3A_243 = arith.mulf %convert_element_type3A_242, %get3A_3 : vector<16xf32>
        %add3A_244 = arith.constant 3 : i32
        %add3A_245 = vector.broadcast %add3A_244 : i32 to vector<16xi32>
        %add3A_246 = arith.addi %add3A_196, %add3A_245 : vector<16xi32>
        %scatter3A_247 = arith.constant 1 : i32
        %scatter3A_248 = arith.constant 0 : i32
        %scatter3A_249 = tpu.memref_slice %arg8[%scatter3A_247, %scatter3A_248] : memref<2x32768xf32, #tpu.memory_space<vmem>> -> memref<1x32768xf32, #tpu.memory_space<vmem>>
        %scatter3A_250 = tpu.memref_squeeze %scatter3A_249 : memref<1x32768xf32, #tpu.memory_space<vmem>> -> memref<32768xf32, #tpu.memory_space<vmem>>
        tpu.vector_store_idx %scatter3A_250[%add3A_246], %mul3A_243 : memref<32768xf32, #tpu.memory_space<vmem>>[vector<16xi32>], vector<16xf32>,
        %mul3A_251 = arith.constant 4 : i32
        %mul3A_252 = arith.muli %scan3A_183, %mul3A_251 : i32
        %add3A_253 = arith.constant 1 : i32
        %add3A_254 = arith.addi %mul3A_252, %add3A_253 : i32
        %get3A_255 = arith.constant 1 : i32
        %get3A_256 = arith.index_cast %get3A_255 : i32 to index
        %get3A_257 = arith.index_cast %add3A_254 : i32 to index
        %get3A_258 = arith.constant 0 : index
        %get3A_259 = tpu.vector_load %arg7[%get3A_256, %get3A_257, %get3A_258] {strides = array<i32>} : memref<2x512x64xi8, #tpu.memory_space<vmem>>, vector<64xi8>,
        %bitcast3A_260 = vector.bitcast %get3A_259 : vector<64xi8> to vector<16xi32>
        %mul3A_261 = arith.constant 64 : i32
        %mul3A_262 = arith.muli %add3A_254, %mul3A_261 : i32
        %add3A_263 = vector.broadcast %mul3A_262 : i32 to vector<16xi32>
        %add3A_264 = arith.addi %mul3A_6, %add3A_263 : vector<16xi32>
        %shift_left3A_265 = arith.constant 24 : i32
        %shift_left3A_266 = vector.broadcast %shift_left3A_265 : i32 to vector<16xi32>
        %shift_left3A_267 = arith.shli %bitcast3A_260, %shift_left3A_266 : vector<16xi32>
        %shift_right_arithmetic3A_268 = arith.constant 24 : i32
        %shift_right_arithmetic3A_269 = vector.broadcast %shift_right_arithmetic3A_268 : i32 to vector<16xi32>
        %shift_right_arithmetic3A_270 = arith.shrsi %shift_left3A_267, %shift_right_arithmetic3A_269 : vector<16xi32>
        %convert_element_type3A_271 = arith.sitofp %shift_right_arithmetic3A_270 : vector<16xi32> to vector<16xf32>
        %mul3A_272 = arith.mulf %convert_element_type3A_271, %get3A_3 : vector<16xf32>
        %add3A_273 = arith.constant 0 : i32
        %add3A_274 = vector.broadcast %add3A_273 : i32 to vector<16xi32>
        %add3A_275 = arith.addi %add3A_264, %add3A_274 : vector<16xi32>
        %scatter3A_276 = arith.constant 1 : i32
        %scatter3A_277 = arith.constant 0 : i32
        %scatter3A_278 = tpu.memref_slice %arg8[%scatter3A_276, %scatter3A_277] : memref<2x32768xf32, #tpu.memory_space<vmem>> -> memref<1x32768xf32, #tpu.memory_space<vmem>>
        %scatter3A_279 = tpu.memref_squeeze %scatter3A_278 : memref<1x32768xf32, #tpu.memory_space<vmem>> -> memref<32768xf32, #tpu.memory_space<vmem>>
        tpu.vector_store_idx %scatter3A_279[%add3A_275], %mul3A_272 : memref<32768xf32, #tpu.memory_space<vmem>>[vector<16xi32>], vector<16xf32>,
        %shift_left3A_280 = arith.constant 16 : i32
        %shift_left3A_281 = vector.broadcast %shift_left3A_280 : i32 to vector<16xi32>
        %shift_left3A_282 = arith.shli %bitcast3A_260, %shift_left3A_281 : vector<16xi32>
        %shift_right_arithmetic3A_283 = arith.constant 24 : i32
        %shift_right_arithmetic3A_284 = vector.broadcast %shift_right_arithmetic3A_283 : i32 to vector<16xi32>
        %shift_right_arithmetic3A_285 = arith.shrsi %shift_left3A_282, %shift_right_arithmetic3A_284 : vector<16xi32>
        %convert_element_type3A_286 = arith.sitofp %shift_right_arithmetic3A_285 : vector<16xi32> to vector<16xf32>
        %mul3A_287 = arith.mulf %convert_element_type3A_286, %get3A_3 : vector<16xf32>
        %add3A_288 = arith.constant 1 : i32
        %add3A_289 = vector.broadcast %add3A_288 : i32 to vector<16xi32>
        %add3A_290 = arith.addi %add3A_264, %add3A_289 : vector<16xi32>
        %scatter3A_291 = arith.constant 1 : i32
        %scatter3A_292 = arith.constant 0 : i32
        %scatter3A_293 = tpu.memref_slice %arg8[%scatter3A_291, %scatter3A_292] : memref<2x32768xf32, #tpu.memory_space<vmem>> -> memref<1x32768xf32, #tpu.memory_space<vmem>>
        %scatter3A_294 = tpu.memref_squeeze %scatter3A_293 : memref<1x32768xf32, #tpu.memory_space<vmem>> -> memref<32768xf32, #tpu.memory_space<vmem>>
        tpu.vector_store_idx %scatter3A_294[%add3A_290], %mul3A_287 : memref<32768xf32, #tpu.memory_space<vmem>>[vector<16xi32>], vector<16xf32>,
        %shift_left3A_295 = arith.constant 8 : i32
        %shift_left3A_296 = vector.broadcast %shift_left3A_295 : i32 to vector<16xi32>
        %shift_left3A_297 = arith.shli %bitcast3A_260, %shift_left3A_296 : vector<16xi32>
        %shift_right_arithmetic3A_298 = arith.constant 24 : i32
        %shift_right_arithmetic3A_299 = vector.broadcast %shift_right_arithmetic3A_298 : i32 to vector<16xi32>
        %shift_right_arithmetic3A_300 = arith.shrsi %shift_left3A_297, %shift_right_arithmetic3A_299 : vector<16xi32>
        %convert_element_type3A_301 = arith.sitofp %shift_right_arithmetic3A_300 : vector<16xi32> to vector<16xf32>
        %mul3A_302 = arith.mulf %convert_element_type3A_301, %get3A_3 : vector<16xf32>
        %add3A_303 = arith.constant 2 : i32
        %add3A_304 = vector.broadcast %add3A_303 : i32 to vector<16xi32>
        %add3A_305 = arith.addi %add3A_264, %add3A_304 : vector<16xi32>
        %scatter3A_306 = arith.constant 1 : i32
        %scatter3A_307 = arith.constant 0 : i32
        %scatter3A_308 = tpu.memref_slice %arg8[%scatter3A_306, %scatter3A_307] : memref<2x32768xf32, #tpu.memory_space<vmem>> -> memref<1x32768xf32, #tpu.memory_space<vmem>>
        %scatter3A_309 = tpu.memref_squeeze %scatter3A_308 : memref<1x32768xf32, #tpu.memory_space<vmem>> -> memref<32768xf32, #tpu.memory_space<vmem>>
        tpu.vector_store_idx %scatter3A_309[%add3A_305], %mul3A_302 : memref<32768xf32, #tpu.memory_space<vmem>>[vector<16xi32>], vector<16xf32>,
        %shift_right_arithmetic3A_310 = arith.constant 24 : i32
        %shift_right_arithmetic3A_311 = vector.broadcast %shift_right_arithmetic3A_310 : i32 to vector<16xi32>
        %shift_right_arithmetic3A_312 = arith.shrsi %bitcast3A_260, %shift_right_arithmetic3A_311 : vector<16xi32>
        %convert_element_type3A_313 = arith.sitofp %shift_right_arithmetic3A_312 : vector<16xi32> to vector<16xf32>
        %mul3A_314 = arith.mulf %convert_element_type3A_313, %get3A_3 : vector<16xf32>
        %add3A_315 = arith.constant 3 : i32
        %add3A_316 = vector.broadcast %add3A_315 : i32 to vector<16xi32>
        %add3A_317 = arith.addi %add3A_264, %add3A_316 : vector<16xi32>
        %scatter3A_318 = arith.constant 1 : i32
        %scatter3A_319 = arith.constant 0 : i32
        %scatter3A_320 = tpu.memref_slice %arg8[%scatter3A_318, %scatter3A_319] : memref<2x32768xf32, #tpu.memory_space<vmem>> -> memref<1x32768xf32, #tpu.memory_space<vmem>>
        %scatter3A_321 = tpu.memref_squeeze %scatter3A_320 : memref<1x32768xf32, #tpu.memory_space<vmem>> -> memref<32768xf32, #tpu.memory_space<vmem>>
        tpu.vector_store_idx %scatter3A_321[%add3A_317], %mul3A_314 : memref<32768xf32, #tpu.memory_space<vmem>>[vector<16xi32>], vector<16xf32>,
        %mul3A_322 = arith.constant 4 : i32
        %mul3A_323 = arith.muli %scan3A_183, %mul3A_322 : i32
        %add3A_324 = arith.constant 2 : i32
        %add3A_325 = arith.addi %mul3A_323, %add3A_324 : i32
        %get3A_326 = arith.constant 1 : i32
        %get3A_327 = arith.index_cast %get3A_326 : i32 to index
        %get3A_328 = arith.index_cast %add3A_325 : i32 to index
        %get3A_329 = arith.constant 0 : index
        %get3A_330 = tpu.vector_load %arg7[%get3A_327, %get3A_328, %get3A_329] {strides = array<i32>} : memref<2x512x64xi8, #tpu.memory_space<vmem>>, vector<64xi8>,
        %bitcast3A_331 = vector.bitcast %get3A_330 : vector<64xi8> to vector<16xi32>
        %mul3A_332 = arith.constant 64 : i32
        %mul3A_333 = arith.muli %add3A_325, %mul3A_332 : i32
        %add3A_334 = vector.broadcast %mul3A_333 : i32 to vector<16xi32>
        %add3A_335 = arith.addi %mul3A_6, %add3A_334 : vector<16xi32>
        %shift_left3A_336 = arith.constant 24 : i32
        %shift_left3A_337 = vector.broadcast %shift_left3A_336 : i32 to vector<16xi32>
        %shift_left3A_338 = arith.shli %bitcast3A_331, %shift_left3A_337 : vector<16xi32>
        %shift_right_arithmetic3A_339 = arith.constant 24 : i32
        %shift_right_arithmetic3A_340 = vector.broadcast %shift_right_arithmetic3A_339 : i32 to vector<16xi32>
        %shift_right_arithmetic3A_341 = arith.shrsi %shift_left3A_338, %shift_right_arithmetic3A_340 : vector<16xi32>
        %convert_element_type3A_342 = arith.sitofp %shift_right_arithmetic3A_341 : vector<16xi32> to vector<16xf32>
        %mul3A_343 = arith.mulf %convert_element_type3A_342, %get3A_3 : vector<16xf32>
        %add3A_344 = arith.constant 0 : i32
        %add3A_345 = vector.broadcast %add3A_344 : i32 to vector<16xi32>
        %add3A_346 = arith.addi %add3A_335, %add3A_345 : vector<16xi32>
        %scatter3A_347 = arith.constant 1 : i32
        %scatter3A_348 = arith.constant 0 : i32
        %scatter3A_349 = tpu.memref_slice %arg8[%scatter3A_347, %scatter3A_348] : memref<2x32768xf32, #tpu.memory_space<vmem>> -> memref<1x32768xf32, #tpu.memory_space<vmem>>
        %scatter3A_350 = tpu.memref_squeeze %scatter3A_349 : memref<1x32768xf32, #tpu.memory_space<vmem>> -> memref<32768xf32, #tpu.memory_space<vmem>>
        tpu.vector_store_idx %scatter3A_350[%add3A_346], %mul3A_343 : memref<32768xf32, #tpu.memory_space<vmem>>[vector<16xi32>], vector<16xf32>,
        %shift_left3A_351 = arith.constant 16 : i32
        %shift_left3A_352 = vector.broadcast %shift_left3A_351 : i32 to vector<16xi32>
        %shift_left3A_353 = arith.shli %bitcast3A_331, %shift_left3A_352 : vector<16xi32>
        %shift_right_arithmetic3A_354 = arith.constant 24 : i32
        %shift_right_arithmetic3A_355 = vector.broadcast %shift_right_arithmetic3A_354 : i32 to vector<16xi32>
        %shift_right_arithmetic3A_356 = arith.shrsi %shift_left3A_353, %shift_right_arithmetic3A_355 : vector<16xi32>
        %convert_element_type3A_357 = arith.sitofp %shift_right_arithmetic3A_356 : vector<16xi32> to vector<16xf32>
        %mul3A_358 = arith.mulf %convert_element_type3A_357, %get3A_3 : vector<16xf32>
        %add3A_359 = arith.constant 1 : i32
        %add3A_360 = vector.broadcast %add3A_359 : i32 to vector<16xi32>
        %add3A_361 = arith.addi %add3A_335, %add3A_360 : vector<16xi32>
        %scatter3A_362 = arith.constant 1 : i32
        %scatter3A_363 = arith.constant 0 : i32
        %scatter3A_364 = tpu.memref_slice %arg8[%scatter3A_362, %scatter3A_363] : memref<2x32768xf32, #tpu.memory_space<vmem>> -> memref<1x32768xf32, #tpu.memory_space<vmem>>
        %scatter3A_365 = tpu.memref_squeeze %scatter3A_364 : memref<1x32768xf32, #tpu.memory_space<vmem>> -> memref<32768xf32, #tpu.memory_space<vmem>>
        tpu.vector_store_idx %scatter3A_365[%add3A_361], %mul3A_358 : memref<32768xf32, #tpu.memory_space<vmem>>[vector<16xi32>], vector<16xf32>,
        %shift_left3A_366 = arith.constant 8 : i32
        %shift_left3A_367 = vector.broadcast %shift_left3A_366 : i32 to vector<16xi32>
        %shift_left3A_368 = arith.shli %bitcast3A_331, %shift_left3A_367 : vector<16xi32>
        %shift_right_arithmetic3A_369 = arith.constant 24 : i32
        %shift_right_arithmetic3A_370 = vector.broadcast %shift_right_arithmetic3A_369 : i32 to vector<16xi32>
        %shift_right_arithmetic3A_371 = arith.shrsi %shift_left3A_368, %shift_right_arithmetic3A_370 : vector<16xi32>
        %convert_element_type3A_372 = arith.sitofp %shift_right_arithmetic3A_371 : vector<16xi32> to vector<16xf32>
        %mul3A_373 = arith.mulf %convert_element_type3A_372, %get3A_3 : vector<16xf32>
        %add3A_374 = arith.constant 2 : i32
        %add3A_375 = vector.broadcast %add3A_374 : i32 to vector<16xi32>
        %add3A_376 = arith.addi %add3A_335, %add3A_375 : vector<16xi32>
        %scatter3A_377 = arith.constant 1 : i32
        %scatter3A_378 = arith.constant 0 : i32
        %scatter3A_379 = tpu.memref_slice %arg8[%scatter3A_377, %scatter3A_378] : memref<2x32768xf32, #tpu.memory_space<vmem>> -> memref<1x32768xf32, #tpu.memory_space<vmem>>
        %scatter3A_380 = tpu.memref_squeeze %scatter3A_379 : memref<1x32768xf32, #tpu.memory_space<vmem>> -> memref<32768xf32, #tpu.memory_space<vmem>>
        tpu.vector_store_idx %scatter3A_380[%add3A_376], %mul3A_373 : memref<32768xf32, #tpu.memory_space<vmem>>[vector<16xi32>], vector<16xf32>,
        %shift_right_arithmetic3A_381 = arith.constant 24 : i32
        %shift_right_arithmetic3A_382 = vector.broadcast %shift_right_arithmetic3A_381 : i32 to vector<16xi32>
        %shift_right_arithmetic3A_383 = arith.shrsi %bitcast3A_331, %shift_right_arithmetic3A_382 : vector<16xi32>
        %convert_element_type3A_384 = arith.sitofp %shift_right_arithmetic3A_383 : vector<16xi32> to vector<16xf32>
        %mul3A_385 = arith.mulf %convert_element_type3A_384, %get3A_3 : vector<16xf32>
        %add3A_386 = arith.constant 3 : i32
        %add3A_387 = vector.broadcast %add3A_386 : i32 to vector<16xi32>
        %add3A_388 = arith.addi %add3A_335, %add3A_387 : vector<16xi32>
        %scatter3A_389 = arith.constant 1 : i32
        %scatter3A_390 = arith.constant 0 : i32
        %scatter3A_391 = tpu.memref_slice %arg8[%scatter3A_389, %scatter3A_390] : memref<2x32768xf32, #tpu.memory_space<vmem>> -> memref<1x32768xf32, #tpu.memory_space<vmem>>
        %scatter3A_392 = tpu.memref_squeeze %scatter3A_391 : memref<1x32768xf32, #tpu.memory_space<vmem>> -> memref<32768xf32, #tpu.memory_space<vmem>>
        tpu.vector_store_idx %scatter3A_392[%add3A_388], %mul3A_385 : memref<32768xf32, #tpu.memory_space<vmem>>[vector<16xi32>], vector<16xf32>,
        %mul3A_393 = arith.constant 4 : i32
        %mul3A_394 = arith.muli %scan3A_183, %mul3A_393 : i32
        %add3A_395 = arith.constant 3 : i32
        %add3A_396 = arith.addi %mul3A_394, %add3A_395 : i32
        %get3A_397 = arith.constant 1 : i32
        %get3A_398 = arith.index_cast %get3A_397 : i32 to index
        %get3A_399 = arith.index_cast %add3A_396 : i32 to index
        %get3A_400 = arith.constant 0 : index
        %get3A_401 = tpu.vector_load %arg7[%get3A_398, %get3A_399, %get3A_400] {strides = array<i32>} : memref<2x512x64xi8, #tpu.memory_space<vmem>>, vector<64xi8>,
        %bitcast3A_402 = vector.bitcast %get3A_401 : vector<64xi8> to vector<16xi32>
        %mul3A_403 = arith.constant 64 : i32
        %mul3A_404 = arith.muli %add3A_396, %mul3A_403 : i32
        %add3A_405 = vector.broadcast %mul3A_404 : i32 to vector<16xi32>
        %add3A_406 = arith.addi %mul3A_6, %add3A_405 : vector<16xi32>
        %shift_left3A_407 = arith.constant 24 : i32
        %shift_left3A_408 = vector.broadcast %shift_left3A_407 : i32 to vector<16xi32>
        %shift_left3A_409 = arith.shli %bitcast3A_402, %shift_left3A_408 : vector<16xi32>
        %shift_right_arithmetic3A_410 = arith.constant 24 : i32
        %shift_right_arithmetic3A_411 = vector.broadcast %shift_right_arithmetic3A_410 : i32 to vector<16xi32>
        %shift_right_arithmetic3A_412 = arith.shrsi %shift_left3A_409, %shift_right_arithmetic3A_411 : vector<16xi32>
        %convert_element_type3A_413 = arith.sitofp %shift_right_arithmetic3A_412 : vector<16xi32> to vector<16xf32>
        %mul3A_414 = arith.mulf %convert_element_type3A_413, %get3A_3 : vector<16xf32>
        %add3A_415 = arith.constant 0 : i32
        %add3A_416 = vector.broadcast %add3A_415 : i32 to vector<16xi32>
        %add3A_417 = arith.addi %add3A_406, %add3A_416 : vector<16xi32>
        %scatter3A_418 = arith.constant 1 : i32
        %scatter3A_419 = arith.constant 0 : i32
        %scatter3A_420 = tpu.memref_slice %arg8[%scatter3A_418, %scatter3A_419] : memref<2x32768xf32, #tpu.memory_space<vmem>> -> memref<1x32768xf32, #tpu.memory_space<vmem>>
        %scatter3A_421 = tpu.memref_squeeze %scatter3A_420 : memref<1x32768xf32, #tpu.memory_space<vmem>> -> memref<32768xf32, #tpu.memory_space<vmem>>
        tpu.vector_store_idx %scatter3A_421[%add3A_417], %mul3A_414 : memref<32768xf32, #tpu.memory_space<vmem>>[vector<16xi32>], vector<16xf32>,
        %shift_left3A_422 = arith.constant 16 : i32
        %shift_left3A_423 = vector.broadcast %shift_left3A_422 : i32 to vector<16xi32>
        %shift_left3A_424 = arith.shli %bitcast3A_402, %shift_left3A_423 : vector<16xi32>
        %shift_right_arithmetic3A_425 = arith.constant 24 : i32
        %shift_right_arithmetic3A_426 = vector.broadcast %shift_right_arithmetic3A_425 : i32 to vector<16xi32>
        %shift_right_arithmetic3A_427 = arith.shrsi %shift_left3A_424, %shift_right_arithmetic3A_426 : vector<16xi32>
        %convert_element_type3A_428 = arith.sitofp %shift_right_arithmetic3A_427 : vector<16xi32> to vector<16xf32>
        %mul3A_429 = arith.mulf %convert_element_type3A_428, %get3A_3 : vector<16xf32>
        %add3A_430 = arith.constant 1 : i32
        %add3A_431 = vector.broadcast %add3A_430 : i32 to vector<16xi32>
        %add3A_432 = arith.addi %add3A_406, %add3A_431 : vector<16xi32>
        %scatter3A_433 = arith.constant 1 : i32
        %scatter3A_434 = arith.constant 0 : i32
        %scatter3A_435 = tpu.memref_slice %arg8[%scatter3A_433, %scatter3A_434] : memref<2x32768xf32, #tpu.memory_space<vmem>> -> memref<1x32768xf32, #tpu.memory_space<vmem>>
        %scatter3A_436 = tpu.memref_squeeze %scatter3A_435 : memref<1x32768xf32, #tpu.memory_space<vmem>> -> memref<32768xf32, #tpu.memory_space<vmem>>
        tpu.vector_store_idx %scatter3A_436[%add3A_432], %mul3A_429 : memref<32768xf32, #tpu.memory_space<vmem>>[vector<16xi32>], vector<16xf32>,
        %shift_left3A_437 = arith.constant 8 : i32
        %shift_left3A_438 = vector.broadcast %shift_left3A_437 : i32 to vector<16xi32>
        %shift_left3A_439 = arith.shli %bitcast3A_402, %shift_left3A_438 : vector<16xi32>
        %shift_right_arithmetic3A_440 = arith.constant 24 : i32
        %shift_right_arithmetic3A_441 = vector.broadcast %shift_right_arithmetic3A_440 : i32 to vector<16xi32>
        %shift_right_arithmetic3A_442 = arith.shrsi %shift_left3A_439, %shift_right_arithmetic3A_441 : vector<16xi32>
        %convert_element_type3A_443 = arith.sitofp %shift_right_arithmetic3A_442 : vector<16xi32> to vector<16xf32>
        %mul3A_444 = arith.mulf %convert_element_type3A_443, %get3A_3 : vector<16xf32>
        %add3A_445 = arith.constant 2 : i32
        %add3A_446 = vector.broadcast %add3A_445 : i32 to vector<16xi32>
        %add3A_447 = arith.addi %add3A_406, %add3A_446 : vector<16xi32>
        %scatter3A_448 = arith.constant 1 : i32
        %scatter3A_449 = arith.constant 0 : i32
        %scatter3A_450 = tpu.memref_slice %arg8[%scatter3A_448, %scatter3A_449] : memref<2x32768xf32, #tpu.memory_space<vmem>> -> memref<1x32768xf32, #tpu.memory_space<vmem>>
        %scatter3A_451 = tpu.memref_squeeze %scatter3A_450 : memref<1x32768xf32, #tpu.memory_space<vmem>> -> memref<32768xf32, #tpu.memory_space<vmem>>
        tpu.vector_store_idx %scatter3A_451[%add3A_447], %mul3A_444 : memref<32768xf32, #tpu.memory_space<vmem>>[vector<16xi32>], vector<16xf32>,
        %shift_right_arithmetic3A_452 = arith.constant 24 : i32
        %shift_right_arithmetic3A_453 = vector.broadcast %shift_right_arithmetic3A_452 : i32 to vector<16xi32>
        %shift_right_arithmetic3A_454 = arith.shrsi %bitcast3A_402, %shift_right_arithmetic3A_453 : vector<16xi32>
        %convert_element_type3A_455 = arith.sitofp %shift_right_arithmetic3A_454 : vector<16xi32> to vector<16xf32>
        %mul3A_456 = arith.mulf %convert_element_type3A_455, %get3A_3 : vector<16xf32>
        %add3A_457 = arith.constant 3 : i32
        %add3A_458 = vector.broadcast %add3A_457 : i32 to vector<16xi32>
        %add3A_459 = arith.addi %add3A_406, %add3A_458 : vector<16xi32>
        %scatter3A_460 = arith.constant 1 : i32
        %scatter3A_461 = arith.constant 0 : i32
        %scatter3A_462 = tpu.memref_slice %arg8[%scatter3A_460, %scatter3A_461] : memref<2x32768xf32, #tpu.memory_space<vmem>> -> memref<1x32768xf32, #tpu.memory_space<vmem>>
        %scatter3A_463 = tpu.memref_squeeze %scatter3A_462 : memref<1x32768xf32, #tpu.memory_space<vmem>> -> memref<32768xf32, #tpu.memory_space<vmem>>
        tpu.vector_store_idx %scatter3A_463[%add3A_459], %mul3A_456 : memref<32768xf32, #tpu.memory_space<vmem>>[vector<16xi32>], vector<16xf32>,
      }
      %scan3A_166 = arith.constant 128 : i32
      %mul3A_167 = arith.constant 16384 : i32
      %mul3A_168 = arith.muli %add3A_133, %mul3A_167 : i32
      %mul3A_169 = arith.constant 512 : i32
      %mul3A_170 = arith.muli %add3A, %mul3A_169 : i32
      %add3A_171 = arith.addi %mul3A_168, %mul3A_170 : i32
      %mul3A_172 = arith.constant 64 : i32
      %mul3A_173 = arith.muli %add3A_171, %mul3A_172 : i32
      %dma_start3A_174 = arith.constant 1 : i32
      %dma_start3A_175 = arith.constant 0 : i32
      %dma_start3A_176 = tpu.memref_slice %arg8[%dma_start3A_174, %dma_start3A_175] : memref<2x32768xf32, #tpu.memory_space<vmem>> -> memref<1x32768xf32, #tpu.memory_space<vmem>>
      %dma_start3A_177 = tpu.memref_squeeze %dma_start3A_176 : memref<1x32768xf32, #tpu.memory_space<vmem>> -> memref<32768xf32, #tpu.memory_space<vmem>>
      %dma_start3A_178 = tpu.memref_slice %arg5[%mul3A_173] : memref<52428800xf32, #tpu.memory_space<hbm>> -> memref<32768xf32, #tpu.memory_space<hbm>>
      %dma_start3A_179 = tpu.memref_slice %arg5[%mul3A_173] : memref<52428800xf32, #tpu.memory_space<hbm>> -> memref<32768xf32, #tpu.memory_space<hbm>>
      %dma_start3A_180 = arith.constant 0 : i32
      %dma_start3A_181 = tpu.memref_slice %arg8[%dma_start3A_174, %dma_start3A_180] : memref<2x32768xf32, #tpu.memory_space<vmem>> -> memref<1x32768xf32, #tpu.memory_space<vmem>>
      %dma_start3A_182 = tpu.memref_squeeze %dma_start3A_181 : memref<1x32768xf32, #tpu.memory_space<vmem>> -> memref<32768xf32, #tpu.memory_space<vmem>>
      tpu.enqueue_dma source(%dma_start3A_182 : memref<32768xf32, #tpu.memory_space<vmem>>) target(%dma_start3A_179 : memref<32768xf32, #tpu.memory_space<hbm>>) target_semaphore(%arg13 : memref<!tpu.dma_semaphore, #tpu.memory_space<semaphore_mem>>)
    }
    %scan3A_58 = arith.constant 25 : i32
    %dma_wait3A = arith.constant 0 : i32
    %dma_wait3A_59 = arith.constant 0 : i32
    %dma_wait3A_60 = tpu.memref_slice %arg8[%dma_wait3A, %dma_wait3A_59] : memref<2x32768xf32, #tpu.memory_space<vmem>> -> memref<1x32768xf32, #tpu.memory_space<vmem>>
    %dma_wait3A_61 = tpu.memref_squeeze %dma_wait3A_60 : memref<1x32768xf32, #tpu.memory_space<vmem>> -> memref<32768xf32, #tpu.memory_space<vmem>>
    %dma_wait3A_62 = arith.constant 0 : i32
    %dma_wait3A_63 = tpu.memref_slice %arg5[%dma_wait3A_62] : memref<52428800xf32, #tpu.memory_space<hbm>> -> memref<32768xf32, #tpu.memory_space<hbm>>
    %dma_wait3A_64 = arith.constant 0 : i32
    %dma_wait3A_65 = tpu.memref_slice %arg5[%dma_wait3A_64] : memref<52428800xf32, #tpu.memory_space<hbm>> -> memref<32768xf32, #tpu.memory_space<hbm>>
    %dma_wait3A_66 = arith.constant 0 : i32
    %dma_wait3A_67 = tpu.memref_slice %arg8[%dma_wait3A, %dma_wait3A_66] : memref<2x32768xf32, #tpu.memory_space<vmem>> -> memref<1x32768xf32, #tpu.memory_space<vmem>>
    %dma_wait3A_68 = tpu.memref_squeeze %dma_wait3A_67 : memref<1x32768xf32, #tpu.memory_space<vmem>> -> memref<32768xf32, #tpu.memory_space<vmem>>
    tpu.wait_dma2 semaphore(%arg12 : memref<!tpu.dma_semaphore, #tpu.memory_space<semaphore_mem>>) src(%dma_wait3A_68 : memref<32768xf32, #tpu.memory_space<vmem>>) dst(%dma_wait3A_65 : memref<32768xf32, #tpu.memory_space<hbm>>)
    %dma_wait3A_69 = arith.constant 1 : i32
    %dma_wait3A_70 = arith.constant 0 : i32
    %dma_wait3A_71 = tpu.memref_slice %arg8[%dma_wait3A_69, %dma_wait3A_70] : memref<2x32768xf32, #tpu.memory_space<vmem>> -> memref<1x32768xf32, #tpu.memory_space<vmem>>
    %dma_wait3A_72 = tpu.memref_squeeze %dma_wait3A_71 : memref<1x32768xf32, #tpu.memory_space<vmem>> -> memref<32768xf32, #tpu.memory_space<vmem>>
    %dma_wait3A_73 = arith.constant 0 : i32
    %dma_wait3A_74 = tpu.memref_slice %arg5[%dma_wait3A_73] : memref<52428800xf32, #tpu.memory_space<hbm>> -> memref<32768xf32, #tpu.memory_space<hbm>>
    %dma_wait3A_75 = arith.constant 0 : i32
    %dma_wait3A_76 = tpu.memref_slice %arg5[%dma_wait3A_75] : memref<52428800xf32, #tpu.memory_space<hbm>> -> memref<32768xf32, #tpu.memory_space<hbm>>
    %dma_wait3A_77 = arith.constant 0 : i32
    %dma_wait3A_78 = tpu.memref_slice %arg8[%dma_wait3A_69, %dma_wait3A_77] : memref<2x32768xf32, #tpu.memory_space<vmem>> -> memref<1x32768xf32, #tpu.memory_space<vmem>>
    %dma_wait3A_79 = tpu.memref_squeeze %dma_wait3A_78 : memref<1x32768xf32, #tpu.memory_space<vmem>> -> memref<32768xf32, #tpu.memory_space<vmem>>
    tpu.wait_dma2 semaphore(%arg13 : memref<!tpu.dma_semaphore, #tpu.memory_space<semaphore_mem>>) src(%dma_wait3A_79 : memref<32768xf32, #tpu.memory_space<vmem>>) dst(%dma_wait3A_76 : memref<32768xf32, #tpu.memory_space<hbm>>)
    return
  }
}

</mosaic_0001>

<sc_bundles>
// kernel: kernel.3.cloned.1.call-start
scs
__scs_entry_jumppad:
0x0: {  	(pc) =	sbr.rel $0x88, $3  }
0x1: {  	(tag) =	ssettag $0x0;
	lr =	simm.s32 $0x1  }
0x2: {  	[smem:$0x3F9E] =	sst lr;
	_ =	strace $0xD0000000  }
0x3: {  	_ = 	snop  }
0x4: {  	_ = 	snop  }
0x5: {  	_ = 	snop  }
0x6: {  	_ = 	snop  }
0x7: {  	_ = 	snop  }
__scs_overlays_trampoline_lowered:
0x8: {  	[smem:$0x3FAD] =	sst s0  }
0x9: {  	[smem:$0x3FAE] =	sst s1  }
0xa: {  	[smem:$0x3FAF] =	sst s2  }
0xb: {  	[smem:$0x3FB0] =	sst s3  }
0xc: {  	[smem:$0x3FB1] =	sst s4  }
0xd: {  	[smem:$0x3FB2] =	sst s5  }
0xe: {  	[smem:$0x3FB3] =	sst s6  }
0xf: {  	[smem:$0x3FB4] =	sst s7  }
0x10: {  	[smem:$0x3FB5] =	sst s8  }
0x11: {  	[smem:$0x3FB6] =	sst s9;
	s0 =	simm.s32 @!p0 $0x0  }
0x12: {  	s1 =	sld [smem:$0x3F9C];
	s0 =	simm.s32 @p0 $0x1  }
0x13: {  	[smem:$0x3FB7] =	sst s0;
	s0 =	simm.s32 @!p1 $0x0  }
0x14: {  	s2 =	sld [smem:$0x3F9B];
	s0 =	simm.s32 @p1 $0x1  }
0x15: {  	[smem:$0x3FB8] =	sst s0;
	s0 =	simm.s32 @!p2 $0x0  }
0x16: {  	s3 =	sld [smem:$0x3FDB];
	s0 =	simm.s32 @p2 $0x1  }
0x17: {  	s4 =	simm.s32 $0x1BF5;
	[smem:$0x3FBA] =	sst s0  }
0x18: {  	s0 =	sld [smem:$0x3F9D];
	_ =	swait.ge [sflag:s4], $0x0  }
0x19: {  	s7 =	sld [smem:$0x3F9E]  }
0x1a: {  	s8 =	sadd.s32 $0xFFFFE003, lr  }
0x1b: {  	s9 =	sadd.s32 $0xFFFFFEF7, lr;
	s5 =	simm.s32 $0xFFFFFFFF;
	p2 =	slt.u32 s8, $0xFFFFF086  }
0x1c: {  	p1 =	slt.u32 s9, $0xF7A;
	s5 =	simm.s32 @!p2 $0x0  }
0x1d: {  	s5 =	simm.s32 @p1 $0x1;
	p0 =	seq.s32 s7, s2  }
0x1e: {  	s7 =	smul.u32 @!p0 $0xF7A, s2;
	p2 =	seq.s32 @!p0 s5, $0x0  }
0x1f: {  	s9 =	smul.u32 $0xF7A, s1;
	s8 =	simm.s32 @!p0 $0x1BF5;
	p2 =	por !p2, p0  }
0x20: {  	[sflag:s8] =	ssyncset.s32 @!p0 $0xFFFFF086;
	s6 =	sadd.s32 @!p0 s3, s7;
	s7 =	simm.s32 @!p0 $0x108  }
0x21: {  	s3 =	sadd.s32 s3, s9;
	s6 =	sadd.s32 @!p0 $0x88, s6;
	s7 =	simm.s32 @p2 $0x1082  }
0x22: {  	[simem:s7], [sflag:s8] =	dma.local @!p0 [hbm:s6], $0xF7A  }
0x23: {  	s9 =	sor.u32 $0xD0000000, s2;
	s6 =	simm.s32 $0x108;
	_ =	swait.ge @!p0 [sflag:s8], $0x0  }
0x24: {  	s3 =	sadd.s32 $0x88, s3;
	s6 =	simm.s32 @!p1 $0x1082;
	[sflag:s4] =	ssyncset.s32 $0xFFFFF086  }
0x25: {  	[simem:s6], [sflag:s4] =	dma.local [hbm:s3], $0xF7A  }
0x26: {  	[smem:$0x3F9E] =	sst s1;
	(tag) =	ssettag s2;
	_ =	strace s9  }
0x27: {  	s1 =	sld [smem:$0x3FAE]  }
0x28: {  	s2 =	sld [smem:$0x3FAF]  }
0x29: {  	s4 =	sld [smem:$0x3FB1]  }
0x2a: {  	p0 =	seq.s32 s5, $0x0;
	s5 =	sld [smem:$0x3FB2]  }
0x2b: {  	s6 =	sld [smem:$0x3FB3]  }
0x2c: {  	s7 =	sld [smem:$0x3FB4]  }
0x2d: {  	s3 =	simm.s32 $0x108;
	s8 =	sld [smem:$0x3FB5]  }
0x2e: {  	s3 =	simm.s32 @!p0 $0x1082;
	s9 =	sld [smem:$0x3FB6]  }
0x2f: {  	lr =	sadd.s32 s0, s3;
	s0 =	sld [smem:$0x3FAD]  }
0x30: {  	s3 =	sld [smem:$0x3FB0]  }
0x31: {  	[smem:$0x3FB9] =	sst s10  }
0x32: {  	s10 =	sld [smem:$0x3FB7];
	_ =	sdelay $0x3  }
0x33: {  	p0 =	seq.s32 s10, $0x1;
	s10 =	sld [smem:$0x3FB9];
	_ =	sdelay $0x3  }
0x34: {  	[smem:$0x3FB9] =	sst s10  }
0x35: {  	s10 =	sld [smem:$0x3FB8];
	_ =	sdelay $0x3  }
0x36: {  	p1 =	seq.s32 s10, $0x1;
	s10 =	sld [smem:$0x3FB9];
	_ =	sdelay $0x3  }
0x37: {  	[smem:$0x3FB9] =	sst s10  }
0x38: {  	s10 =	sld [smem:$0x3FBA]  }
0x39: {  	_ = 	snop;
	(pc) =	sbr.ind lr, $3  }
0x3a: {  	_ = 	snop  }
0x3b: {  	_ = 	snop  }
0x3c: {  	p2 =	seq.s32 s10, $0x1;
	s10 =	sld [smem:$0x3FB9]  }
0x3d: {  	_ =	shalt  }
0x3e: {  	_ =	shalt  }
0x3f: {  	_ =	shalt  }
0x40: {  	_ =	shalt  }
0x41: {  	_ =	shalt  }
0x42: {  	_ =	shalt  }
0x43: {  	_ =	shalt  }
0x44: {  	_ =	shalt  }
0x45: {  	_ =	shalt  }
0x46: {  	_ =	shalt  }
0x47: {  	_ =	shalt  }
0x48: {  	_ =	shalt  }
0x49: {  	_ =	shalt  }
0x4a: {  	_ =	shalt  }
0x4b: {  	_ =	shalt  }
0x4c: {  	_ =	shalt  }
0x4d: {  	_ =	shalt  }
0x4e: {  	_ =	shalt  }
0x4f: {  	_ =	shalt  }
0x50: {  	_ =	shalt  }
0x51: {  	_ =	shalt  }
0x52: {  	_ =	shalt  }
0x53: {  	_ =	shalt  }
0x54: {  	_ =	shalt  }
0x55: {  	_ =	shalt  }
0x56: {  	_ =	shalt  }
0x57: {  	_ =	shalt  }
0x58: {  	_ =	shalt  }
0x59: {  	_ =	shalt  }
0x5a: {  	_ =	shalt  }
0x5b: {  	_ =	shalt  }
0x5c: {  	_ =	shalt  }
0x5d: {  	_ =	shalt  }
0x5e: {  	_ =	shalt  }
0x5f: {  	_ =	shalt  }
0x60: {  	_ =	shalt  }
0x61: {  	_ =	shalt  }
0x62: {  	_ =	shalt  }
0x63: {  	_ =	shalt  }
0x64: {  	_ =	shalt  }
0x65: {  	_ =	shalt  }
0x66: {  	_ =	shalt  }
0x67: {  	_ =	shalt  }
0x68: {  	_ =	shalt  }
0x69: {  	_ =	shalt  }
0x6a: {  	_ =	shalt  }
0x6b: {  	_ =	shalt  }
0x6c: {  	_ =	shalt  }
0x6d: {  	_ =	shalt  }
0x6e: {  	_ =	shalt  }
0x6f: {  	_ =	shalt  }
0x70: {  	_ =	shalt  }
0x71: {  	_ =	shalt  }
0x72: {  	_ =	shalt  }
0x73: {  	_ =	shalt  }
0x74: {  	_ =	shalt  }
0x75: {  	_ =	shalt  }
0x76: {  	_ =	shalt  }
0x77: {  	_ =	shalt  }
0x78: {  	_ =	shalt  }
0x79: {  	_ =	shalt  }
0x7a: {  	_ =	shalt  }
0x7b: {  	_ =	shalt  }
0x7c: {  	_ =	shalt  }
0x7d: {  	_ =	shalt  }
0x7e: {  	_ =	shalt  }
0x7f: {  	_ =	shalt  }
0x80: {  	_ =	shalt  }
0x81: {  	_ =	shalt  }
0x82: {  	_ =	shalt  }
0x83: {  	_ =	shalt  }
0x84: {  	_ =	shalt  }
0x85: {  	_ =	shalt  }
0x86: {  	_ =	shalt  }
0x87: {  	_ =	shalt  }
.Lfunc_end0:
.L_simem_size_0:
called_computation.2_lowered:
.L_overlay_start_0:
0x88: {  	s2 =	sld [smem:$0x3FD9]  }
0x89: {  	s3 =	sld [smem:$0x3FFE];
	_ =	sdelay $0x1  }
0x8a: {  	s1 =	srdreg.scid  }
0x8b: {  	s0 =	sand.u32 $0x1, s1  }
0x8c: {  	s17 =	sshll.u32 s0, $0xA;
	s2 =	sadd.s32 s3, s2  }
0x8d: {  	s2 =	sadd.s32 s2, s17  }
0x8e: {  	[smem:$0x3FC5] =	sst s2  }
0x8f: {  	_ = 	snop  }
0x90: {  	s2 =	sld [smem:$0x3FD0];
	(tm) =	ssettm $0x1  }
0x91: {  	s18 =	sld [smem:$0x3FFB];
	_ =	sdelay $0x3  }
0x92: {  	_ =	strace s18  }
0x93: {  	s3 =	sld [smem:$0x3FFC];
	_ =	sdelay $0x3  }
0x94: {  	_ =	strace s3  }
0x95: {  	s3 =	sld [smem:$0x3FFD];
	_ =	sdelay $0x3  }
0x96: {  	_ =	strace s3  }
0x97: {  	_ =	strace $0x8FFFFFFF  }
0x98: {  	s19 =	sld [smem:$0x3FDB];
	_ =	sdelay $0x1  }
0x99: {  	s4 =	simm.s32 $_scs_section_size  }
0x9a: {  	s5 =	simm.s32 $_size__tile_overlayer_lowered;
	s6 =	simm.s32 $_tile_overlayer_lowered  }
0x9b: {  	s22 =	simm.s32 $0x1BFF;
	s21 =	sshll.u32 s6, $0x1;
	s3 =	sadd.s32 s4, s19  }
0x9c: {  	s7 =	simm.s32 $0x0;
	s20 =	sshll.u32 s5, $0x1;
	s5 =	sadd.s32 s21, s3  }
0x9d: {  	[timem:s7], [sflag:s22] =	dma.local [hbm:s5], s20  }
0x9e: {  	_ =	swait.ge [sflag:s22], s20  }
0x9f: {  	s4 =	ssub.s32 $0x0, s20;
	[sflag:s22] =	ssyncset.done $0x0  }
0xa0: {  	[sflag:s22] =	ssyncadd.s32 s4;
	_ =	sdelay $0x1  }
0xa1: {  	s23 =	simm.s32 $0x1B8B  }
0xa2: {  	_ =	swait.ge [sflag:s23], $0x1  }
0xa3: {  	[sflag:s23] =	ssyncset.done $0x0  }
0xa4: {  	s25 =	simm.s32 $0x1B8E;
	s24 =	sld [smem:$0x3FFE];
	[sflag:s23] =	ssyncadd.s32 $0xFFFFFFFF  }
0xa5: {  	s26 =	simm.s32 $execute0_lowered;
	[smem:$0x3FD2] =	sst s25  }
0xa6: {  	s5 =	sshll.u32 s26, $0x1;
	_ =	strace $0x80000049;
	[dreg:$0x1] =	wrdreg $0xFFFFFFFF  }
0xa7: {  	s28 =	simm.s32 $_size_execute0_lowered;
	s3 =	sadd.s32 s3, s5;
	[dreg:$0x0] =	wrdreg $0x0  }
0xa8: {  	s5 =	sshll.u32 s28, $0x1;
	[dreg:$0x2] =	wrdreg s3  }
0xa9: {  	[dreg:$0x3] =	wrdreg s5  }
0xaa: {  	[dreg:$0x4] =	wrdreg $0xC0  }
0xab: {  	_ =	task [dreg:s7], $0x5FFFF  }
0xac: {  	[dreg:$0x1] =	wrdreg $0xFFFFFFFF  }
0xad: {  	[dreg:$0x0] =	wrdreg $0x60  }
0xae: {  	[dreg:$0x2] =	wrdreg s24  }
0xaf: {  	[dreg:$0x3] =	wrdreg s2  }
0xb0: {  	[dreg:$0x4] =	wrdreg $0x9  }
0xb1: {  	_ =	task.clear_ibuf [dreg:s7], $0x5FFFF;
	_ =	strace $0x90000049  }
0xb2: {  	s29 =	simm.s32 $0x9;
	_ =	strace $0x8000004B  }
0xb3: {  	_ =	swait.ge [sflag:s29], $0x1  }
0xb4: {  	[sflag:s29] =	ssyncadd.s32 $0xFFFFFFFF  }
0xb5: {  	_ =	strace $0x9000004B  }
0xb6: {  	_ =	sfence  }
0xb7: {  	s30 =	sld [smem:$0x0];
	_ =	sdelay $0x2  }
0xb8: {  	s31 =	sshll.u32 s1, $0xD;
	s1 =	sshrl.u32 s1, $0x2  }
0xb9: {  	s3 =	sand.u32 $0x4000, s31;
	s1 =	sadd.s32 s1, s30  }
0xba: {  	s0 =	sor.u32 s3, s0;
	s1 =	sshll.u32 s1, $0x11  }
0xbb: {  	s0 =	sor.u32 s1, s0  }
0xbc: {  	s0 =	sadd.s32 $0x8F2B, s0  }
0xbd: {  	[sflag:s0] =	ssyncadd.remote.s32 $0x1  }
0xbe: {  	_ =	sfence.sel $0xFFFF  }
0xbf: {  	[dreg:$0x0] =	wrdreg $0xFFFFFFFF;
	(pc) =	sbr.abs _section_cstart, $3  }
0xc0: {  	[dreg:$0x1] =	wrdreg $0xFFFFFFFF  }
0xc1: {  	_ =	task.clear_ibuf [dreg:s7], $0x2FFFF;
	_ =	strace $0x9FFFFFFF  }
0xc2: {  	(tm) =	ssettm $0x7FFFFFFF  }
0xc3: {  	_ =	shalt  }
tec
execute0_lowered:
.L_overlay_start_1:
0x0: {  	(tag) =	ssettag $0x1  }
0x1: {  	s0 =	srdreg.scid;
	s1 =	rddreg [dreg:$0x0]  }
0x2: {  	s2 =	stileid.u32;
	s6 =	rddreg [dreg:$0x1]  }
0x3: {  	s9 =	simm.s32 $0x5;
	s12 =	simm.s32 $0x80;
	s13 =	simm.s32 $0x6400  }
0x4: {  	s14 =	simm.s32 $0x6C00;
	s16 =	simm.s32 $0x7400;
	s17 =	simm.s32 $0x180  }
0x5: {  	s18 =	simm.s32 $0x7C00;
	s19 =	simm.s32 $0x8400;
	s20 =	simm.s32 $0x8C00  }
0x6: {  	s21 =	simm.s32 $0x9400;
	s22 =	simm.s32 $0x9C00;
	s23 =	simm.s32 $0x1  }
0x7: {  	s24 =	simm.s32 $0xA400;
	s25 =	simm.s32 $0x2;
	s28 =	simm.s32 $0x12400  }
0x8: {  	s29 =	simm.s32 $0x3;
	s30 =	simm.s32 $0x0;
	s0 =	sand.u32 $0x1, s0  }
0x9: {  	v0 =	vlaneseq.u32;
	s3 =	sshll.u32 s2, $0xA;
	s2 =	simm.s32 $0x0;
	s4 =	sshll.u32 s0, $0x9  }
0xa: {  	v1 =	vand.u32 $0x1, v0;
	v0 =	vmul.u32 $0x4, v0;
	[smem:$0x7FF] =	sst s2;
	s0 =	ssub.s32 $0x2, s0;
	s7 =	sor.u32 s4, s3  }
0xb: {  	v7 =	vmul.u32 $0x4, v1;
	_ =	strace $0x8000004A;
	s4 =	sadd.s32 $0x202400, s1;
	s26 =	sshrl.u32 s0, $0x1  }
0xc: {  	v2 =	vor.u32 $0x1, v0;
	s3 =	sshrl.u32 s7, $0x3;
	s0 =	ssub.s32 s0, s26;
	s31 =	sshll.u32 s7, $0x3  }
0xd: {  	v3 =	vor.u32 $0x2, v0;
	v4 =	vor.u32 $0x3, v0;
	v1 =	vor.u32 $0xFFFFFF38, v7;
	s26 =	simm.s32 $0x4;
	s5 =	sadd.s32 s3, s1;
	s3 =	sadd.s32 $0xE00, s1  }
0xe: {  	v5 =	vor.u32 $0xFFFFFF78, v7;
	v6 =	vor.u32 $0xFFFFFFB8, v7;
	v7 =	vor.u32 $0xFFFFFFF8, v7;
	s6 =	sadd.s32 s6, s31;
	s7 =	smax.u32 s0, $0x1;
	s5 =	sadd.s32 $0x1E9400, s5  }
.LBB2_1:
0xf: {  	s0 =	simm.s32 $0x1A400  }
0x10: {  	[tilespmem:s0], [sflag:$0x5] =	stream.linear.gather [hbm4b:s4+s2], $0x10, $0x38;
	[tilespmem:$0x1A410] =	vst v63  }
0x11: {  	_ =	swait.ge [sflag:s9], $0x10  }
0x12: {  	[sflag:s9] =	ssyncset.done $0x0  }
0x13: {  	s11 =	simm.s32 $0x200;
	s1 =	simm.s32 $0x4000;
	[sflag:s9] =	ssyncadd.s32 $0xFFFFFFF0  }
0x14: {  	[tilespmem:s2], [sflag:$0x5] =	stream.strided.gather [hbm4b:s5+s11], $0x6400, s1, s11, $0x38;
	[tilespmem:$0x1A410] =	vst v63  }
0x15: {  	_ =	swait.ge [sflag:s9], $0x6400  }
0x16: {  	[sflag:s9] =	ssyncset.done $0x0  }
0x17: {  	[sflag:s9] =	ssyncadd.s32 $0xFFFF9C00  }
0x18: {  	v8 =	vld [tilespmem:$0x1A400];
	[tilespmem:s13], [sflag:$0x1] =	stream.indirect.gather [hbm4b:s3+s12], $0x10, s2, s12, $0xb8  }
0x19: {  	_ = 	snop  }
0x1a: {  	[tilespmem:s14], [sflag:$0x1] =	stream.indirect.gather [hbm4b:s3+s12], $0x10, s12, s12, $0xb8;
	[tilespmem:$0x1A410] =	vst v63  }
0x1b: {  	s15 =	simm.s32 $0x100  }
0x1c: {  	[tilespmem:s16], [sflag:$0x1] =	stream.indirect.gather [hbm4b:s3+s12], $0x10, s15, s12, $0xb8;
	[tilespmem:$0x1A410] =	vst v63  }
0x1d: {  	s31 =	simm.s32 $0x0  }
0x1e: {  	[tilespmem:s18], [sflag:$0x1] =	stream.indirect.gather [hbm4b:s3+s12], $0x10, s17, s12, $0xb8;
	[tilespmem:$0x1A410] =	vst v63  }
.LBB2_2:
0x1f: {  	s1 =	sshllo.u32 s31, $0x1  }
0x20: {  	s0 =	sshll.u32 s1, $0x9  }
0x21: {  	s0 =	sand.u32 $0x3FFFFE00, s0  }
0x22: {  	[tilespmem:s19], [sflag:$0x2] =	stream.indirect.gather [hbm4b:s3+s12], $0x10, s0, s12, $0xb8;
	[tilespmem:$0x1A410] =	vst v63  }
0x23: {  	s8 =	sor.u32 $0x80, s0  }
0x24: {  	[tilespmem:s20], [sflag:$0x2] =	stream.indirect.gather [hbm4b:s3+s12], $0x10, s8, s12, $0xb8;
	[tilespmem:$0x1A410] =	vst v63  }
0x25: {  	s11 =	sor.u32 $0x100, s0  }
0x26: {  	[tilespmem:s21], [sflag:$0x2] =	stream.indirect.gather [hbm4b:s3+s12], $0x10, s11, s12, $0xb8;
	[tilespmem:$0x1A410] =	vst v63  }
0x27: {  	s0 =	sor.u32 $0x180, s0  }
0x28: {  	[tilespmem:s22], [sflag:$0x2] =	stream.indirect.gather [hbm4b:s3+s12], $0x10, s0, s12, $0xb8;
	[tilespmem:$0x1A410] =	vst v63  }
0x29: {  	_ =	swait.ge [sflag:s23], $0x2000  }
0x2a: {  	p0 =	seq.s32 s31, $0x0;
	[sflag:s23] =	ssyncset.done $0x0  }
0x2b: {  	s0 =	simm.s32 @!p0 $0x3;
	[sflag:s23] =	ssyncadd.s32 $0xFFFFE000  }
0x2c: {  	_ =	swait.ge @!p0 [sflag:s0], $0x8000  }
0x2d: {  	[sflag:s0] =	ssyncset.done @!p0 $0x0  }
0x2e: {  	[sflag:s0] =	ssyncadd.s32 @!p0 $0xFFFF8000;
	s0 =	simm.s32 $0x30  }
0x2f: {  	v9 =	vld [tilespmem:s0+$0x63D0];
	_ =	sdelay $0x2  }
0x30: {  	s15 =	simm.s32 $0x0  }
0x31: {  	v10 =	vor.u32 s15, v0  }
0x32: {  	v11 =	vor.u32 s15, v2;
	v13 =	vor.u32 s15, v3;
	v12 =	vshll.u32 v9, $0x18  }
0x33: {  	v10 =	vand.u32 v1, v10;
	v14 =	vshll.u32 v9, $0x10;
	v12 =	vshra.s32 v12, $0x18  }
0x34: {  	v15 =	vshll.u32 v9, $0x8;
	v14 =	vshra.s32 v14, $0x18;
	v12 =	vcvt.s32.f32 v12  }
0x35: {  	v16 =	vor.u32 s15, v4;
	v15 =	vshra.s32 v15, $0x18;
	v14 =	vcvt.s32.f32 v14  }
0x36: {  	v9 =	vshra.s32 v9, $0x18;
	v15 =	vcvt.s32.f32 v15;
	v12 =	vmul.f32 v12, v8  }
0x37: {  	v9 =	vcvt.s32.f32 v9;
	v14 =	vmul.f32 v14, v8  }
0x38: {  	v15 =	vmul.f32 v15, v8;
	[tilespmem:v10+s24+$0x0] =	vst.idx.msk $0xffff, v12  }
0x39: {  	v9 =	vmul.f32 v9, v8;
	[tilespmem:v11+s24+$0x0] =	vst.idx.msk $0xffff, v14  }
0x3a: {  	[tilespmem:v13+s24+$0x0] =	vst.idx.msk $0xffff, v15  }
0x3b: {  	[tilespmem:v16+s24+$0x0] =	vst.idx.msk $0xffff, v9  }
0x3c: {  	v9 =	vld [tilespmem:s0+$0x63E0];
	_ =	sdelay $0x2  }
0x3d: {  	s10 =	simm.s32 $0x40  }
0x3e: {  	v10 =	vor.u32 s10, v0  }
0x3f: {  	v10 =	vand.u32 v5, v10;
	v11 =	vor.u32 s10, v2;
	v12 =	vshll.u32 v9, $0x18  }
0x40: {  	v13 =	vor.u32 s10, v3;
	v14 =	vshll.u32 v9, $0x10;
	v12 =	vshra.s32 v12, $0x18  }
0x41: {  	v15 =	vshll.u32 v9, $0x8;
	v14 =	vshra.s32 v14, $0x18;
	v12 =	vcvt.s32.f32 v12  }
0x42: {  	v16 =	vor.u32 s10, v4;
	v15 =	vshra.s32 v15, $0x18;
	v14 =	vcvt.s32.f32 v14  }
0x43: {  	v9 =	vshra.s32 v9, $0x18;
	v15 =	vcvt.s32.f32 v15;
	v12 =	vmul.f32 v12, v8  }
0x44: {  	v9 =	vcvt.s32.f32 v9;
	v14 =	vmul.f32 v14, v8  }
0x45: {  	[tilespmem:v10+s24+$0x0] =	vst.idx.msk $0xffff, v12;
	v10 =	vmul.f32 v15, v8  }
0x46: {  	v9 =	vmul.f32 v9, v8;
	[tilespmem:v11+s24+$0x0] =	vst.idx.msk $0xffff, v14  }
0x47: {  	[tilespmem:v13+s24+$0x0] =	vst.idx.msk $0xffff, v10  }
0x48: {  	[tilespmem:v16+s24+$0x0] =	vst.idx.msk $0xffff, v9  }
0x49: {  	v9 =	vld [tilespmem:s0+$0x63F0];
	_ =	sdelay $0x2  }
0x4a: {  	s11 =	simm.s32 $0x80  }
0x4b: {  	v15 =	vor.u32 s11, v3  }
0x4c: {  	v11 =	vor.u32 s11, v2;
	v10 =	vor.u32 s11, v0;
	v12 =	vshll.u32 v9, $0x18  }
0x4d: {  	v10 =	vand.u32 v6, v10;
	v13 =	vshll.u32 v9, $0x10;
	v12 =	vshra.s32 v12, $0x18  }
0x4e: {  	v14 =	vshll.u32 v9, $0x8;
	v13 =	vshra.s32 v13, $0x18;
	v12 =	vcvt.s32.f32 v12  }
0x4f: {  	v16 =	vor.u32 s11, v4;
	v14 =	vshra.s32 v14, $0x18;
	v13 =	vcvt.s32.f32 v13  }
0x50: {  	v9 =	vshra.s32 v9, $0x18;
	v14 =	vcvt.s32.f32 v14;
	v12 =	vmul.f32 v12, v8  }
0x51: {  	v9 =	vcvt.s32.f32 v9;
	v13 =	vmul.f32 v13, v8  }
0x52: {  	[tilespmem:v10+s24+$0x0] =	vst.idx.msk $0xffff, v12;
	v10 =	vmul.f32 v14, v8  }
0x53: {  	v9 =	vmul.f32 v9, v8;
	[tilespmem:v11+s24+$0x0] =	vst.idx.msk $0xffff, v13  }
0x54: {  	[tilespmem:v15+s24+$0x0] =	vst.idx.msk $0xffff, v10  }
0x55: {  	[tilespmem:v16+s24+$0x0] =	vst.idx.msk $0xffff, v9  }
0x56: {  	v13 =	vld [tilespmem:s0+$0x6400];
	_ =	sdelay $0x1  }
0x57: {  	s15 =	simm.s32 $0xC0  }
0x58: {  	v14 =	vor.u32 s15, v0;
	v12 =	vor.u32 s15, v2  }
0x59: {  	v11 =	vor.u32 s15, v3;
	v14 =	vand.u32 v7, v14;
	v10 =	vor.u32 s15, v4;
	s0 =	simm.s32 $0x1C0  }
0x5a: {  	v9 =	vor.u32 s0, v4;
	v15 =	vshll.u32 v13, $0x18;
	v16 =	vshll.u32 v13, $0x10  }
0x5b: {  	v17 =	vshll.u32 v13, $0x8;
	v15 =	vshra.s32 v15, $0x18;
	v18 =	vshra.s32 v16, $0x18  }
0x5c: {  	s8 =	simm.s32 $0x2C0;
	v17 =	vshra.s32 v17, $0x18;
	v16 =	vcvt.s32.f32 v15;
	v15 =	vcvt.s32.f32 v18  }
.LBB2_3:
0x5d: {  	p1 =	sne.s32 s8, $0x7FC0  }
0x5e: {  	v18 =	vor.u32 s8, v4;
	s11 =	sshra.s32 s0, $0x2;
	v17 =	vcvt.s32.f32 v17;
	v13 =	vshra.s32 v13, $0x18;
	s10 =	smov.u32 s8;
	s8 =	sadd.s32 $0x100, s8  }
0x5f: {  	v16 =	vmul.f32 v16, v8;
	v13 =	vcvt.s32.f32 v13  }
0x60: {  	v15 =	vmul.f32 v15, v8;
	v17 =	vmul.f32 v17, v8  }
0x61: {  	[tilespmem:v14+s24+$0x0] =	vst.idx.msk $0xffff, v16;
	v13 =	vmul.f32 v13, v8  }
0x62: {  	[tilespmem:v12+s24+$0x0] =	vst.idx.msk $0xffff, v15  }
0x63: {  	s15 =	sadd.s32 $0xFFFFFF40, s0;
	[tilespmem:v11+s24+$0x0] =	vst.idx.msk $0xffff, v17  }
0x64: {  	v11 =	vor.u32 s15, v2;
	[tilespmem:v10+s24+$0x0] =	vst.idx.msk $0xffff, v13;
	v10 =	vmov v9;
	v9 =	vmov v18  }
0x65: {  	v13 =	vor.u32 s15, v0;
	v12 =	vld [tilespmem:s11+$0x63D0]  }
0x66: {  	v13 =	vand.u32 v1, v13;
	_ =	sdelay $0x1  }
0x67: {  	v14 =	vor.u32 s15, v3  }
0x68: {  	v15 =	vor.u32 s15, v4  }
0x69: {  	v16 =	vshll.u32 v12, $0x18;
	v17 =	vshll.u32 v12, $0x10;
	v18 =	vshll.u32 v12, $0x8  }
0x6a: {  	v16 =	vshra.s32 v16, $0x18;
	v17 =	vshra.s32 v17, $0x18;
	v18 =	vshra.s32 v18, $0x18  }
0x6b: {  	v12 =	vshra.s32 v12, $0x18;
	v16 =	vcvt.s32.f32 v16;
	v18 =	vcvt.s32.f32 v18  }
0x6c: {  	v12 =	vcvt.s32.f32 v12;
	v17 =	vcvt.s32.f32 v17  }
0x6d: {  	v16 =	vmul.f32 v16, v8;
	v18 =	vmul.f32 v18, v8  }
0x6e: {  	v17 =	vmul.f32 v17, v8  }
0x6f: {  	v12 =	vmul.f32 v12, v8;
	[tilespmem:v13+s24+$0x0] =	vst.idx.msk $0xffff, v16  }
0x70: {  	[tilespmem:v11+s24+$0x0] =	vst.idx.msk $0xffff, v17  }
0x71: {  	[tilespmem:v14+s24+$0x0] =	vst.idx.msk $0xffff, v18  }
0x72: {  	s15 =	sadd.s32 $0xFFFFFF80, s0;
	[tilespmem:v15+s24+$0x0] =	vst.idx.msk $0xffff, v12  }
0x73: {  	v11 =	vld [tilespmem:s11+$0x63E0]  }
0x74: {  	v12 =	vor.u32 s15, v0  }
0x75: {  	v13 =	vor.u32 s15, v2;
	v12 =	vand.u32 v5, v12  }
0x76: {  	v14 =	vor.u32 s15, v3;
	_ =	sdelay $0x1  }
0x77: {  	v15 =	vshll.u32 v11, $0x18;
	v16 =	vshll.u32 v11, $0x10;
	v17 =	vshll.u32 v11, $0x8  }
0x78: {  	v11 =	vshra.s32 v11, $0x18;
	v15 =	vshra.s32 v15, $0x18;
	v16 =	vshra.s32 v16, $0x18  }
0x79: {  	v18 =	vor.u32 s15, v4;
	v17 =	vshra.s32 v17, $0x18;
	v15 =	vcvt.s32.f32 v15  }
0x7a: {  	v16 =	vcvt.s32.f32 v16;
	v17 =	vcvt.s32.f32 v17  }
0x7b: {  	v11 =	vcvt.s32.f32 v11;
	v15 =	vmul.f32 v15, v8  }
0x7c: {  	v16 =	vmul.f32 v16, v8  }
0x7d: {  	[tilespmem:v12+s24+$0x0] =	vst.idx.msk $0xffff, v15;
	v12 =	vmul.f32 v17, v8  }
0x7e: {  	v11 =	vmul.f32 v11, v8;
	[tilespmem:v13+s24+$0x0] =	vst.idx.msk $0xffff, v16  }
0x7f: {  	[tilespmem:v14+s24+$0x0] =	vst.idx.msk $0xffff, v12  }
0x80: {  	[tilespmem:v18+s24+$0x0] =	vst.idx.msk $0xffff, v11  }
0x81: {  	v11 =	vld [tilespmem:s11+$0x63F0]  }
0x82: {  	s15 =	sadd.s32 $0xFFFFFFC0, s0  }
0x83: {  	v12 =	vor.u32 s15, v0  }
0x84: {  	v13 =	vor.u32 s15, v2;
	_ =	sdelay $0x1  }
0x85: {  	v12 =	vand.u32 v6, v12;
	v14 =	vshll.u32 v11, $0x18;
	v15 =	vshll.u32 v11, $0x10  }
0x86: {  	v16 =	vshll.u32 v11, $0x8;
	v14 =	vshra.s32 v14, $0x18;
	v15 =	vshra.s32 v15, $0x18  }
0x87: {  	v17 =	vor.u32 s15, v3;
	v14 =	vcvt.s32.f32 v14;
	v15 =	vcvt.s32.f32 v15  }
0x88: {  	v18 =	vor.u32 s15, v4;
	v11 =	vshra.s32 v11, $0x18;
	v16 =	vshra.s32 v16, $0x18  }
0x89: {  	v16 =	vcvt.s32.f32 v16;
	v14 =	vmul.f32 v14, v8  }
0x8a: {  	v11 =	vcvt.s32.f32 v11;
	v15 =	vmul.f32 v15, v8  }
0x8b: {  	[tilespmem:v12+s24+$0x0] =	vst.idx.msk $0xffff, v14;
	v12 =	vmul.f32 v16, v8  }
0x8c: {  	v11 =	vmul.f32 v11, v8;
	[tilespmem:v13+s24+$0x0] =	vst.idx.msk $0xffff, v15  }
0x8d: {  	[tilespmem:v17+s24+$0x0] =	vst.idx.msk $0xffff, v12  }
0x8e: {  	[tilespmem:v18+s24+$0x0] =	vst.idx.msk $0xffff, v11  }
0x8f: {  	v13 =	vld [tilespmem:s11+$0x6400];
	_ =	sdelay $0x2  }
.Ltmp0:
0x90: {  	v14 =	vor.u32 s0, v0;
	(pc) =	sbr.rel @p1 .LBB2_3-.Ltmp0, $4  }
0x91: {  	v12 =	vor.u32 s0, v2;
	v11 =	vor.u32 s0, v3;
	s0 =	smov.u32 s10  }
0x92: {  	v15 =	vshll.u32 v13, $0x18;
	v16 =	vshll.u32 v13, $0x10;
	v17 =	vshll.u32 v13, $0x8  }
0x93: {  	v14 =	vand.u32 v7, v14;
	v15 =	vshra.s32 v15, $0x18;
	v18 =	vshra.s32 v16, $0x18  }
0x94: {  	v17 =	vshra.s32 v17, $0x18;
	v16 =	vcvt.s32.f32 v15;
	v15 =	vcvt.s32.f32 v18  }
0x95: {  	_ =	sdelay $0x1  }
0x96: {  	v17 =	vcvt.s32.f32 v17;
	v13 =	vshra.s32 v13, $0x18;
	v16 =	vmul.f32 v16, v8  }
0x97: {  	v13 =	vcvt.s32.f32 v13;
	v15 =	vmul.f32 v15, v8  }
0x98: {  	v17 =	vmul.f32 v17, v8;
	[tilespmem:v14+s24+$0x0] =	vst.idx.msk $0xffff, v16  }
0x99: {  	v13 =	vmul.f32 v13, v8;
	[tilespmem:v12+s24+$0x0] =	vst.idx.msk $0xffff, v15  }
0x9a: {  	[tilespmem:v11+s24+$0x0] =	vst.idx.msk $0xffff, v17  }
0x9b: {  	s8 =	sshra.s32 s0, $0x2;
	[tilespmem:v10+s24+$0x0] =	vst.idx.msk $0xffff, v13  }
0x9c: {  	v10 =	vld [tilespmem:s8+$0x63D0];
	_ =	sdelay $0x2  }
0x9d: {  	s10 =	sadd.s32 $0xFFFFFF40, s0  }
0x9e: {  	v41 =	vor.u32 s10, v2  }
0x9f: {  	v43 =	vor.u32 s10, v3;
	v11 =	vor.u32 s10, v0;
	v42 =	vshll.u32 v10, $0x18  }
0xa0: {  	v11 =	vand.u32 v1, v11;
	v44 =	vshll.u32 v10, $0x10;
	v13 =	vshra.s32 v42, $0x18  }
0xa1: {  	v45 =	vshll.u32 v10, $0x8;
	v15 =	vshra.s32 v44, $0x18;
	v13 =	vcvt.s32.f32 v13  }
0xa2: {  	v46 =	vor.u32 s10, v4;
	v16 =	vshra.s32 v45, $0x18;
	v15 =	vcvt.s32.f32 v15  }
0xa3: {  	v10 =	vshra.s32 v10, $0x18;
	v16 =	vcvt.s32.f32 v16;
	v13 =	vmul.f32 v13, v8  }
0xa4: {  	v10 =	vcvt.s32.f32 v10;
	v15 =	vmul.f32 v15, v8  }
0xa5: {  	v16 =	vmul.f32 v16, v8;
	[tilespmem:v11+s24+$0x0] =	vst.idx.msk $0xffff, v13  }
0xa6: {  	v10 =	vmul.f32 v10, v8;
	[tilespmem:v41+s24+$0x0] =	vst.idx.msk $0xffff, v15  }
0xa7: {  	[tilespmem:v43+s24+$0x0] =	vst.idx.msk $0xffff, v16  }
0xa8: {  	[tilespmem:v46+s24+$0x0] =	vst.idx.msk $0xffff, v10  }
0xa9: {  	v10 =	vld [tilespmem:s8+$0x63E0];
	_ =	sdelay $0x2  }
0xaa: {  	s15 =	sadd.s32 $0xFFFFFF80, s0  }
0xab: {  	v47 =	vor.u32 s15, v2  }
0xac: {  	v49 =	vor.u32 s15, v3;
	v11 =	vor.u32 s15, v0;
	v48 =	vshll.u32 v10, $0x18  }
0xad: {  	v11 =	vand.u32 v5, v11;
	v50 =	vshll.u32 v10, $0x10;
	v13 =	vshra.s32 v48, $0x18  }
0xae: {  	v51 =	vshll.u32 v10, $0x8;
	v15 =	vshra.s32 v50, $0x18;
	v13 =	vcvt.s32.f32 v13  }
0xaf: {  	v52 =	vor.u32 s15, v4;
	v16 =	vshra.s32 v51, $0x18;
	v15 =	vcvt.s32.f32 v15  }
0xb0: {  	v10 =	vshra.s32 v10, $0x18;
	v16 =	vcvt.s32.f32 v16;
	v13 =	vmul.f32 v13, v8  }
0xb1: {  	v10 =	vcvt.s32.f32 v10;
	v15 =	vmul.f32 v15, v8  }
0xb2: {  	[tilespmem:v11+s24+$0x0] =	vst.idx.msk $0xffff, v13;
	v11 =	vmul.f32 v16, v8  }
0xb3: {  	v10 =	vmul.f32 v10, v8;
	[tilespmem:v47+s24+$0x0] =	vst.idx.msk $0xffff, v15  }
0xb4: {  	[tilespmem:v49+s24+$0x0] =	vst.idx.msk $0xffff, v11  }
0xb5: {  	[tilespmem:v52+s24+$0x0] =	vst.idx.msk $0xffff, v10  }
0xb6: {  	v10 =	vld [tilespmem:s8+$0x63F0];
	_ =	sdelay $0x2  }
0xb7: {  	s11 =	sadd.s32 $0xFFFFFFC0, s0  }
0xb8: {  	v53 =	vor.u32 s11, v2  }
0xb9: {  	v57 =	vor.u32 s11, v3;
	v11 =	vor.u32 s11, v0;
	v54 =	vshll.u32 v10, $0x18  }
0xba: {  	v11 =	vand.u32 v6, v11;
	v55 =	vshll.u32 v10, $0x10;
	v13 =	vshra.s32 v54, $0x18  }
0xbb: {  	v56 =	vshll.u32 v10, $0x8;
	v14 =	vshra.s32 v55, $0x18;
	v13 =	vcvt.s32.f32 v13  }
0xbc: {  	v58 =	vor.u32 s11, v4;
	v15 =	vshra.s32 v56, $0x18;
	v14 =	vcvt.s32.f32 v14  }
0xbd: {  	v10 =	vshra.s32 v10, $0x18;
	v15 =	vcvt.s32.f32 v15;
	v13 =	vmul.f32 v13, v8  }
0xbe: {  	v10 =	vcvt.s32.f32 v10;
	v14 =	vmul.f32 v14, v8  }
0xbf: {  	[tilespmem:v11+s24+$0x0] =	vst.idx.msk $0xffff, v13;
	v11 =	vmul.f32 v15, v8  }
0xc0: {  	v10 =	vmul.f32 v10, v8;
	[tilespmem:v53+s24+$0x0] =	vst.idx.msk $0xffff, v14  }
0xc1: {  	[tilespmem:v57+s24+$0x0] =	vst.idx.msk $0xffff, v11  }
0xc2: {  	[tilespmem:v58+s24+$0x0] =	vst.idx.msk $0xffff, v10  }
0xc3: {  	v10 =	vld [tilespmem:s8+$0x6400];
	_ =	sdelay $0x4  }
0xc4: {  	v59 =	vor.u32 s0, v2;
	v11 =	vor.u32 s0, v0;
	v60 =	vshll.u32 v10, $0x18  }
0xc5: {  	v11 =	vand.u32 v7, v11;
	v61 =	vshll.u32 v10, $0x10;
	v13 =	vshra.s32 v60, $0x18  }
0xc6: {  	v62 =	vshll.u32 v10, $0x8;
	v14 =	vshra.s32 v61, $0x18;
	v13 =	vcvt.s32.f32 v13  }
0xc7: {  	v63 =	vor.u32 s0, v3;
	v15 =	vshra.s32 v62, $0x18;
	v14 =	vcvt.s32.f32 v14  }
0xc8: {  	v10 =	vshra.s32 v10, $0x18;
	v15 =	vcvt.s32.f32 v15;
	v13 =	vmul.f32 v13, v8  }
0xc9: {  	p1 =	sne.s32 s31, $0x18;
	v10 =	vcvt.s32.f32 v10;
	v14 =	vmul.f32 v14, v8  }
.Ltmp1:
0xca: {  	v15 =	vmul.f32 v15, v8;
	[tilespmem:v11+s24+$0x0] =	vst.idx.msk $0xffff, v13;
	(pc) =	sbr.rel @p1 .LBB2_6-.Ltmp1, $4  }
0xcb: {  	v10 =	vmul.f32 v10, v8;
	[tilespmem:v59+s24+$0x0] =	vst.idx.msk $0xffff, v14  }
0xcc: {  	s15 =	sshll.u32 s31, $0x12;
	[tilespmem:v63+s24+$0x0] =	vst.idx.msk $0xffff, v15  }
0xcd: {  	s0 =	sadd.s32 s15, s6;
	[tilespmem:v9+s24+$0x0] =	vst.idx.msk $0xffff, v10  }
0xce: {  	[hbm4b:s0+s2] =	stream.linear.scatter [tilespmem:s24], [sflag:$0x3], $0x8000, $0x38;
	[tilespmem:$0x1A410] =	vst v63  }
.Ltmp2:
0xcf: {  	(pc) =	sbr.rel .LBB2_7-.Ltmp2, $4  }
0xd0: {  	_ = 	snop  }
0xd1: {  	_ =	swait.ge [sflag:s25], $0x2000  }
0xd2: {  	[sflag:s25] =	ssyncset.done $0x0  }
0xd3: {  	[sflag:s25] =	ssyncadd.s32 $0xFFFFE000  }
.LBB2_6:
0xd4: {  	s0 =	sshll.u32 s31, $0xA  }
0xd5: {  	s0 =	sand.u32 $0x3FFFFC00, s0  }
0xd6: {  	s8 =	sadd.s32 $0x400, s0  }
0xd7: {  	[tilespmem:s13], [sflag:$0x1] =	stream.indirect.gather [hbm4b:s3+s12], $0x10, s8, s12, $0xb8;
	[tilespmem:$0x1A410] =	vst v63  }
0xd8: {  	s11 =	sadd.s32 $0x480, s0  }
0xd9: {  	[tilespmem:s14], [sflag:$0x1] =	stream.indirect.gather [hbm4b:s3+s12], $0x10, s11, s12, $0xb8;
	[tilespmem:$0x1A410] =	vst v63  }
0xda: {  	s15 =	sadd.s32 $0x500, s0  }
0xdb: {  	[tilespmem:s16], [sflag:$0x1] =	stream.indirect.gather [hbm4b:s3+s12], $0x10, s15, s12, $0xb8;
	[tilespmem:$0x1A410] =	vst v63  }
.Ltmp3:
0xdc: {  	s0 =	sadd.s32 $0x580, s0;
	(pc) =	sbr.rel @p0 .LBB2_8-.Ltmp3, $4  }
0xdd: {  	[tilespmem:s18], [sflag:$0x1] =	stream.indirect.gather [hbm4b:s3+s12], $0x10, s0, s12, $0xb8;
	[tilespmem:$0x1A410] =	vst v63  }
0xde: {  	_ =	swait.ge [sflag:s25], $0x2000  }
0xdf: {  	[sflag:s25] =	ssyncset.done $0x0  }
0xe0: {  	[sflag:s25] =	ssyncadd.s32 $0xFFFFE000  }
.LBB2_7:
0xe1: {  	_ =	swait.ge [sflag:s26], $0x8000  }
0xe2: {  	[sflag:s26] =	ssyncset.done $0x0  }
0xe3: {  	[sflag:s26] =	ssyncadd.s32 $0xFFFF8000  }
.LBB2_8:
0xe4: {  	s0 =	simm.s32 $0x20  }
0xe5: {  	v9 =	vld [tilespmem:s0+$0x83E0];
	_ =	sdelay $0x2  }
0xe6: {  	s8 =	simm.s32 $0x0  }
0xe7: {  	v10 =	vor.u32 s8, v0  }
0xe8: {  	v11 =	vor.u32 s8, v2;
	v13 =	vor.u32 s8, v3;
	v12 =	vshll.u32 v9, $0x18  }
0xe9: {  	v10 =	vand.u32 v1, v10;
	v14 =	vshll.u32 v9, $0x10;
	v12 =	vshra.s32 v12, $0x18  }
0xea: {  	v15 =	vshll.u32 v9, $0x8;
	v14 =	vshra.s32 v14, $0x18;
	v12 =	vcvt.s32.f32 v12  }
0xeb: {  	v16 =	vor.u32 s8, v4;
	v15 =	vshra.s32 v15, $0x18;
	v14 =	vcvt.s32.f32 v14  }
0xec: {  	v9 =	vshra.s32 v9, $0x18;
	v15 =	vcvt.s32.f32 v15;
	v12 =	vmul.f32 v12, v8  }
0xed: {  	v9 =	vcvt.s32.f32 v9;
	v14 =	vmul.f32 v14, v8  }
0xee: {  	v15 =	vmul.f32 v15, v8;
	[tilespmem:v10+s28+$0x0] =	vst.idx.msk $0xffff, v12  }
0xef: {  	v9 =	vmul.f32 v9, v8;
	[tilespmem:v11+s28+$0x0] =	vst.idx.msk $0xffff, v14  }
0xf0: {  	[tilespmem:v13+s28+$0x0] =	vst.idx.msk $0xffff, v15  }
0xf1: {  	[tilespmem:v16+s28+$0x0] =	vst.idx.msk $0xffff, v9  }
0xf2: {  	v9 =	vld [tilespmem:s0+$0x83F0];
	_ =	sdelay $0x2  }
0xf3: {  	s11 =	simm.s32 $0x40  }
0xf4: {  	v10 =	vor.u32 s11, v0  }
0xf5: {  	v10 =	vand.u32 v5, v10;
	v11 =	vor.u32 s11, v2;
	v12 =	vshll.u32 v9, $0x18  }
0xf6: {  	v13 =	vor.u32 s11, v3;
	v14 =	vshll.u32 v9, $0x10;
	v12 =	vshra.s32 v12, $0x18  }
0xf7: {  	v15 =	vshll.u32 v9, $0x8;
	v14 =	vshra.s32 v14, $0x18;
	v12 =	vcvt.s32.f32 v12  }
0xf8: {  	v16 =	vor.u32 s11, v4;
	v15 =	vshra.s32 v15, $0x18;
	v14 =	vcvt.s32.f32 v14  }
0xf9: {  	v9 =	vshra.s32 v9, $0x18;
	v15 =	vcvt.s32.f32 v15;
	v12 =	vmul.f32 v12, v8  }
0xfa: {  	v9 =	vcvt.s32.f32 v9;
	v14 =	vmul.f32 v14, v8  }
0xfb: {  	[tilespmem:v10+s28+$0x0] =	vst.idx.msk $0xffff, v12;
	v10 =	vmul.f32 v15, v8  }
0xfc: {  	v9 =	vmul.f32 v9, v8;
	[tilespmem:v11+s28+$0x0] =	vst.idx.msk $0xffff, v14  }
0xfd: {  	[tilespmem:v13+s28+$0x0] =	vst.idx.msk $0xffff, v10  }
0xfe: {  	[tilespmem:v16+s28+$0x0] =	vst.idx.msk $0xffff, v9  }
0xff: {  	v9 =	vld [tilespmem:s0+$0x8400];
	_ =	sdelay $0x2  }
0x100: {  	s15 =	simm.s32 $0x80  }
0x101: {  	v15 =	vor.u32 s15, v3  }
0x102: {  	v11 =	vor.u32 s15, v2;
	v10 =	vor.u32 s15, v0;
	v12 =	vshll.u32 v9, $0x18  }
0x103: {  	v10 =	vand.u32 v6, v10;
	v13 =	vshll.u32 v9, $0x10;
	v12 =	vshra.s32 v12, $0x18  }
0x104: {  	v14 =	vshll.u32 v9, $0x8;
	v13 =	vshra.s32 v13, $0x18;
	v12 =	vcvt.s32.f32 v12  }
0x105: {  	v16 =	vor.u32 s15, v4;
	v14 =	vshra.s32 v14, $0x18;
	v13 =	vcvt.s32.f32 v13  }
0x106: {  	v9 =	vshra.s32 v9, $0x18;
	v14 =	vcvt.s32.f32 v14;
	v12 =	vmul.f32 v12, v8  }
0x107: {  	v9 =	vcvt.s32.f32 v9;
	v13 =	vmul.f32 v13, v8  }
0x108: {  	[tilespmem:v10+s28+$0x0] =	vst.idx.msk $0xffff, v12;
	v10 =	vmul.f32 v14, v8  }
0x109: {  	v9 =	vmul.f32 v9, v8;
	[tilespmem:v11+s28+$0x0] =	vst.idx.msk $0xffff, v13  }
0x10a: {  	[tilespmem:v15+s28+$0x0] =	vst.idx.msk $0xffff, v10  }
0x10b: {  	[tilespmem:v16+s28+$0x0] =	vst.idx.msk $0xffff, v9  }
0x10c: {  	v11 =	vld [tilespmem:s0+$0x8410];
	_ =	sdelay $0x1  }
0x10d: {  	s15 =	simm.s32 $0xC0  }
0x10e: {  	v12 =	vor.u32 s15, v0  }
0x10f: {  	v12 =	vand.u32 v7, v12  }
0x110: {  	v10 =	vor.u32 s15, v2;
	v13 =	vshll.u32 v11, $0x18;
	v14 =	vshll.u32 v11, $0x10  }
0x111: {  	v9 =	vor.u32 s15, v3;
	v13 =	vshra.s32 v13, $0x18;
	v15 =	vshra.s32 v14, $0x18  }
0x112: {  	s8 =	simm.s32 $0x280;
	s0 =	simm.s32 $0x180;
	v14 =	vcvt.s32.f32 v13;
	v13 =	vcvt.s32.f32 v15;
	v15 =	vshll.u32 v11, $0x8  }
.LBB2_9:
0x113: {  	p0 =	sne.s32 s8, $0x7F80  }
0x114: {  	s11 =	sshra.s32 s0, $0x2;
	v15 =	vshra.s32 v15, $0x18;
	v11 =	vshra.s32 v11, $0x18;
	s10 =	smov.u32 s8;
	s8 =	sadd.s32 $0x100, s8  }
0x115: {  	v16 =	vor.u32 s15, v4;
	v14 =	vmul.f32 v14, v8;
	v15 =	vcvt.s32.f32 v15  }
0x116: {  	v13 =	vmul.f32 v13, v8;
	v11 =	vcvt.s32.f32 v11  }
0x117: {  	[tilespmem:v12+s28+$0x0] =	vst.idx.msk $0xffff, v14;
	v12 =	vmul.f32 v15, v8  }
0x118: {  	[tilespmem:v10+s28+$0x0] =	vst.idx.msk $0xffff, v13;
	v10 =	vmul.f32 v11, v8  }
0x119: {  	s15 =	sadd.s32 $0xFFFFFF80, s0;
	[tilespmem:v9+s28+$0x0] =	vst.idx.msk $0xffff, v12  }
0x11a: {  	v9 =	vor.u32 s15, v2;
	[tilespmem:v16+s28+$0x0] =	vst.idx.msk $0xffff, v10  }
0x11b: {  	v11 =	vor.u32 s15, v0;
	v10 =	vld [tilespmem:s11+$0x83E0]  }
0x11c: {  	v11 =	vand.u32 v1, v11;
	_ =	sdelay $0x1  }
0x11d: {  	v12 =	vor.u32 s15, v3  }
0x11e: {  	v13 =	vor.u32 s15, v4  }
0x11f: {  	v14 =	vshll.u32 v10, $0x18;
	v15 =	vshll.u32 v10, $0x10;
	v16 =	vshll.u32 v10, $0x8  }
0x120: {  	v14 =	vshra.s32 v14, $0x18;
	v15 =	vshra.s32 v15, $0x18;
	v16 =	vshra.s32 v16, $0x18  }
0x121: {  	v10 =	vshra.s32 v10, $0x18;
	v14 =	vcvt.s32.f32 v14;
	v16 =	vcvt.s32.f32 v16  }
0x122: {  	v10 =	vcvt.s32.f32 v10;
	v15 =	vcvt.s32.f32 v15  }
0x123: {  	v14 =	vmul.f32 v14, v8;
	v16 =	vmul.f32 v16, v8  }
0x124: {  	v15 =	vmul.f32 v15, v8  }
0x125: {  	v10 =	vmul.f32 v10, v8;
	[tilespmem:v11+s28+$0x0] =	vst.idx.msk $0xffff, v14  }
0x126: {  	[tilespmem:v9+s28+$0x0] =	vst.idx.msk $0xffff, v15  }
0x127: {  	[tilespmem:v12+s28+$0x0] =	vst.idx.msk $0xffff, v16  }
0x128: {  	s15 =	sadd.s32 $0xFFFFFFC0, s0;
	[tilespmem:v13+s28+$0x0] =	vst.idx.msk $0xffff, v10  }
0x129: {  	v9 =	vld [tilespmem:s11+$0x83F0]  }
0x12a: {  	v10 =	vor.u32 s15, v0  }
0x12b: {  	v11 =	vor.u32 s15, v2;
	v10 =	vand.u32 v5, v10  }
0x12c: {  	v12 =	vor.u32 s15, v3;
	_ =	sdelay $0x1  }
0x12d: {  	v13 =	vshll.u32 v9, $0x18;
	v14 =	vshll.u32 v9, $0x10;
	v15 =	vshll.u32 v9, $0x8  }
0x12e: {  	v9 =	vshra.s32 v9, $0x18;
	v13 =	vshra.s32 v13, $0x18;
	v14 =	vshra.s32 v14, $0x18  }
0x12f: {  	v16 =	vor.u32 s15, v4;
	v15 =	vshra.s32 v15, $0x18;
	v13 =	vcvt.s32.f32 v13  }
0x130: {  	v14 =	vcvt.s32.f32 v14;
	v15 =	vcvt.s32.f32 v15  }
0x131: {  	v9 =	vcvt.s32.f32 v9;
	v13 =	vmul.f32 v13, v8  }
0x132: {  	v14 =	vmul.f32 v14, v8  }
0x133: {  	[tilespmem:v10+s28+$0x0] =	vst.idx.msk $0xffff, v13;
	v10 =	vmul.f32 v15, v8  }
0x134: {  	v9 =	vmul.f32 v9, v8;
	[tilespmem:v11+s28+$0x0] =	vst.idx.msk $0xffff, v14  }
0x135: {  	[tilespmem:v12+s28+$0x0] =	vst.idx.msk $0xffff, v10  }
0x136: {  	[tilespmem:v16+s28+$0x0] =	vst.idx.msk $0xffff, v9  }
0x137: {  	v9 =	vld [tilespmem:s11+$0x8400];
	_ =	sdelay $0x1  }
0x138: {  	v10 =	vor.u32 s0, v0  }
0x139: {  	v11 =	vor.u32 s0, v2;
	_ =	sdelay $0x1  }
0x13a: {  	v10 =	vand.u32 v6, v10;
	v12 =	vshll.u32 v9, $0x18;
	v13 =	vshll.u32 v9, $0x10  }
0x13b: {  	v14 =	vshll.u32 v9, $0x8;
	v12 =	vshra.s32 v12, $0x18;
	v13 =	vshra.s32 v13, $0x18  }
0x13c: {  	v15 =	vor.u32 s0, v3;
	v12 =	vcvt.s32.f32 v12;
	v13 =	vcvt.s32.f32 v13  }
0x13d: {  	v16 =	vor.u32 s0, v4;
	v9 =	vshra.s32 v9, $0x18;
	v14 =	vshra.s32 v14, $0x18  }
0x13e: {  	v14 =	vcvt.s32.f32 v14;
	v12 =	vmul.f32 v12, v8  }
0x13f: {  	v9 =	vcvt.s32.f32 v9;
	v13 =	vmul.f32 v13, v8  }
0x140: {  	[tilespmem:v10+s28+$0x0] =	vst.idx.msk $0xffff, v12;
	v10 =	vmul.f32 v14, v8  }
0x141: {  	v9 =	vmul.f32 v9, v8;
	[tilespmem:v11+s28+$0x0] =	vst.idx.msk $0xffff, v13  }
0x142: {  	[tilespmem:v15+s28+$0x0] =	vst.idx.msk $0xffff, v10  }
0x143: {  	[tilespmem:v16+s28+$0x0] =	vst.idx.msk $0xffff, v9  }
0x144: {  	v11 =	vld [tilespmem:s11+$0x8410];
	_ =	sdelay $0x2  }
.Ltmp4:
0x145: {  	s15 =	sadd.s32 $0x40, s0;
	s0 =	smov.u32 s10;
	(pc) =	sbr.rel @p0 .LBB2_9-.Ltmp4, $4  }
0x146: {  	v10 =	vor.u32 s15, v2;
	v9 =	vor.u32 s15, v3  }
0x147: {  	v12 =	vor.u32 s15, v0;
	v13 =	vshll.u32 v11, $0x18;
	v14 =	vshll.u32 v11, $0x10  }
0x148: {  	v12 =	vand.u32 v7, v12;
	v13 =	vshra.s32 v13, $0x18;
	v15 =	vshra.s32 v14, $0x18  }
0x149: {  	v14 =	vcvt.s32.f32 v13;
	v13 =	vcvt.s32.f32 v15;
	v15 =	vshll.u32 v11, $0x8  }
0x14a: {  	_ = 	snop  }
0x14b: {  	v15 =	vshra.s32 v15, $0x18;
	v11 =	vshra.s32 v11, $0x18  }
0x14c: {  	v16 =	vor.u32 s15, v4;
	v14 =	vmul.f32 v14, v8;
	v15 =	vcvt.s32.f32 v15  }
0x14d: {  	v13 =	vmul.f32 v13, v8;
	v11 =	vcvt.s32.f32 v11  }
0x14e: {  	[tilespmem:v12+s28+$0x0] =	vst.idx.msk $0xffff, v14;
	v42 =	vmul.f32 v15, v8  }
0x14f: {  	[tilespmem:v10+s28+$0x0] =	vst.idx.msk $0xffff, v13;
	v10 =	vmul.f32 v11, v8  }
0x150: {  	[tilespmem:v9+s28+$0x0] =	vst.idx.msk $0xffff, v42  }
0x151: {  	s8 =	sshra.s32 s0, $0x2;
	[tilespmem:v16+s28+$0x0] =	vst.idx.msk $0xffff, v10  }
0x152: {  	v9 =	vld [tilespmem:s8+$0x83E0];
	_ =	sdelay $0x2  }
0x153: {  	s10 =	sadd.s32 $0xFFFFFF80, s0  }
0x154: {  	v44 =	vor.u32 s10, v3  }
0x155: {  	v11 =	vor.u32 s10, v2;
	v10 =	vor.u32 s10, v0;
	v43 =	vshll.u32 v9, $0x18  }
0x156: {  	v10 =	vand.u32 v1, v10;
	v45 =	vshll.u32 v9, $0x10;
	v12 =	vshra.s32 v43, $0x18  }
0x157: {  	v46 =	vshll.u32 v9, $0x8;
	v14 =	vshra.s32 v45, $0x18;
	v12 =	vcvt.s32.f32 v12  }
0x158: {  	v47 =	vor.u32 s10, v4;
	v15 =	vshra.s32 v46, $0x18;
	v14 =	vcvt.s32.f32 v14  }
0x159: {  	v9 =	vshra.s32 v9, $0x18;
	v15 =	vcvt.s32.f32 v15;
	v12 =	vmul.f32 v12, v8  }
0x15a: {  	v9 =	vcvt.s32.f32 v9;
	v14 =	vmul.f32 v14, v8  }
0x15b: {  	v15 =	vmul.f32 v15, v8;
	[tilespmem:v10+s28+$0x0] =	vst.idx.msk $0xffff, v12  }
0x15c: {  	v9 =	vmul.f32 v9, v8;
	[tilespmem:v11+s28+$0x0] =	vst.idx.msk $0xffff, v14  }
0x15d: {  	[tilespmem:v44+s28+$0x0] =	vst.idx.msk $0xffff, v15  }
0x15e: {  	[tilespmem:v47+s28+$0x0] =	vst.idx.msk $0xffff, v9  }
0x15f: {  	v9 =	vld [tilespmem:s8+$0x83F0];
	_ =	sdelay $0x2  }
0x160: {  	s15 =	sadd.s32 $0xFFFFFFC0, s0  }
0x161: {  	v10 =	vor.u32 s15, v0  }
0x162: {  	v49 =	vor.u32 s15, v3;
	v10 =	vand.u32 v5, v10;
	v48 =	vshll.u32 v9, $0x18  }
0x163: {  	v11 =	vor.u32 s15, v2;
	v50 =	vshll.u32 v9, $0x10;
	v12 =	vshra.s32 v48, $0x18  }
0x164: {  	v51 =	vshll.u32 v9, $0x8;
	v14 =	vshra.s32 v50, $0x18;
	v12 =	vcvt.s32.f32 v12  }
0x165: {  	v52 =	vor.u32 s15, v4;
	v15 =	vshra.s32 v51, $0x18;
	v14 =	vcvt.s32.f32 v14  }
0x166: {  	v9 =	vshra.s32 v9, $0x18;
	v15 =	vcvt.s32.f32 v15;
	v12 =	vmul.f32 v12, v8  }
0x167: {  	v9 =	vcvt.s32.f32 v9;
	v14 =	vmul.f32 v14, v8  }
0x168: {  	[tilespmem:v10+s28+$0x0] =	vst.idx.msk $0xffff, v12;
	v10 =	vmul.f32 v15, v8  }
0x169: {  	v9 =	vmul.f32 v9, v8;
	[tilespmem:v11+s28+$0x0] =	vst.idx.msk $0xffff, v14  }
0x16a: {  	[tilespmem:v49+s28+$0x0] =	vst.idx.msk $0xffff, v10  }
0x16b: {  	[tilespmem:v52+s28+$0x0] =	vst.idx.msk $0xffff, v9  }
0x16c: {  	v9 =	vld [tilespmem:s8+$0x8400];
	_ =	sdelay $0x3  }
0x16d: {  	v56 =	vor.u32 s0, v3  }
0x16e: {  	v11 =	vor.u32 s0, v2;
	v10 =	vor.u32 s0, v0;
	v53 =	vshll.u32 v9, $0x18  }
0x16f: {  	v10 =	vand.u32 v6, v10;
	v54 =	vshll.u32 v9, $0x10;
	v12 =	vshra.s32 v53, $0x18  }
0x170: {  	v55 =	vshll.u32 v9, $0x8;
	v13 =	vshra.s32 v54, $0x18;
	v12 =	vcvt.s32.f32 v12  }
0x171: {  	v57 =	vor.u32 s0, v4;
	v14 =	vshra.s32 v55, $0x18;
	v13 =	vcvt.s32.f32 v13  }
0x172: {  	v9 =	vshra.s32 v9, $0x18;
	v14 =	vcvt.s32.f32 v14;
	v12 =	vmul.f32 v12, v8  }
0x173: {  	v9 =	vcvt.s32.f32 v9;
	v13 =	vmul.f32 v13, v8  }
0x174: {  	[tilespmem:v10+s28+$0x0] =	vst.idx.msk $0xffff, v12;
	v10 =	vmul.f32 v14, v8  }
0x175: {  	v9 =	vmul.f32 v9, v8;
	[tilespmem:v11+s28+$0x0] =	vst.idx.msk $0xffff, v13  }
0x176: {  	[tilespmem:v56+s28+$0x0] =	vst.idx.msk $0xffff, v10  }
0x177: {  	[tilespmem:v57+s28+$0x0] =	vst.idx.msk $0xffff, v9  }
0x178: {  	v9 =	vld [tilespmem:s8+$0x8410];
	_ =	sdelay $0x2  }
0x179: {  	s11 =	sadd.s32 $0x40, s0  }
0x17a: {  	v58 =	vor.u32 s11, v0  }
0x17b: {  	v62 =	vor.u32 s11, v4;
	v12 =	vand.u32 v7, v58;
	v59 =	vshll.u32 v9, $0x18  }
0x17c: {  	v10 =	vor.u32 s11, v2;
	v60 =	vshll.u32 v9, $0x10;
	v13 =	vshra.s32 v59, $0x18  }
0x17d: {  	v61 =	vshll.u32 v9, $0x8;
	v14 =	vshra.s32 v60, $0x18;
	v13 =	vcvt.s32.f32 v13  }
0x17e: {  	v11 =	vor.u32 s11, v3;
	v15 =	vshra.s32 v61, $0x18;
	v14 =	vcvt.s32.f32 v14  }
0x17f: {  	s31 =	sadd.s32 $0x1, s31;
	v9 =	vshra.s32 v9, $0x18;
	v15 =	vcvt.s32.f32 v15;
	v13 =	vmul.f32 v13, v8  }
0x180: {  	p0 =	sne.s32 s31, $0x19;
	v9 =	vcvt.s32.f32 v9;
	v14 =	vmul.f32 v14, v8  }
.Ltmp5:
0x181: {  	v63 =	vmul.f32 v15, v8;
	[tilespmem:v12+s28+$0x0] =	vst.idx.msk $0xffff, v13;
	(pc) =	sbr.rel @p0 .LBB2_2-.Ltmp5, $4  }
0x182: {  	v9 =	vmul.f32 v9, v8;
	[tilespmem:v10+s28+$0x0] =	vst.idx.msk $0xffff, v14  }
0x183: {  	s15 =	sshll.u32 s1, $0x11;
	[tilespmem:v11+s28+$0x0] =	vst.idx.msk $0xffff, v63  }
0x184: {  	s0 =	sadd.s32 s15, s6;
	[tilespmem:v62+s28+$0x0] =	vst.idx.msk $0xffff, v9  }
0x185: {  	[hbm4b:s0+s2] =	stream.linear.scatter [tilespmem:s28], [sflag:$0x4], $0x8000, $0x38;
	[tilespmem:$0x1A410] =	vst v63  }
0x186: {  	s30 =	sadd.s32 $0x1, s30  }
0x187: {  	_ =	swait.ge [sflag:s29], $0x8000;
	p0 =	sne.s32 s30, s7  }
.Ltmp6:
0x188: {  	[sflag:s29] =	ssyncset.done $0x0;
	(pc) =	sbr.rel @p0 .LBB2_1-.Ltmp6, $4  }
0x189: {  	[sflag:s29] =	ssyncadd.s32 $0xFFFF8000  }
0x18a: {  	_ =	swait.ge [sflag:s26], $0x8000  }
0x18b: {  	[sflag:s26] =	ssyncset.done $0x0  }
0x18c: {  	[sflag:s26] =	ssyncadd.s32 $0xFFFF8000  }
0x18d: {  	_ =	sfence.sel $0x180000  }
0x18e: {  	[bflag:$0x0] =	sbarrier.arrive $0xFFFF  }
0x18f: {  	_ =	strace $0x9000004A  }
0x190: {  	s0 =	stileid.u32;
	[bflag:$0x2] =	sbarrier.arrive $0xFFFF  }
0x191: {  	p0 =	sne.s32 s0, $0x0;
	s0 =	rddreg [dreg:$0x2]  }
0x192: {  	s0 =	sadd.s32 @!p0 $0x100000, s0  }
0x193: {  	[sflag:s0] =	ssyncadd.tile.s32 @!p0 $0x1;
	_ =	shalt  }
.Lfunc_end2:
_tile_overlayer_lowered:
.L_overlay_start_2:
0x194: {  	(tag) =	ssettag $0x2  }
0x195: {  	s0 =	rddreg [dreg:$0x0];
	s2 =	stileid.u32  }
0x196: {  	s1 =	rddreg [dreg:$0x1];
	p0 =	sne.s32 s2, $0x0  }
0x197: {  	s3 =	rddreg [dreg:$0x2];
	[bflag:$0x3] =	sbarrier.arrive $0xFFFF;
	s2 =	simm.s32 @!p0 $0x1C05  }
0x198: {  	[timem:s3], [sflag:s2] =	dma.local @!p0 [hbm:s0], s1  }
0x199: {  	s0 =	simm.s32 @!p0 $0x5  }
0x19a: {  	_ =	swait.ge @!p0 [sflag:s0], s1  }
0x19b: {  	s1 =	ssub.s32 @!p0 $0x0, s1;
	[sflag:s0] =	ssyncset.done @!p0 $0x0  }
0x19c: {  	[sflag:s0] =	ssyncadd.s32 @!p0 s1  }
0x19d: {  	[bflag:$0x3] =	sbarrier.arrive $0xFFFF  }
0x19e: {  	_ =	shalt  }

// kernel: sparse-core-data-format-call.1.cloned.1.call-start
scs
called_computation.1_lowered:
.L_overlay_start_0:
0x0: {  	s2 =	sld [smem:$0x3FD9]  }
0x1: {  	s3 =	sld [smem:$0x3FFE];
	_ =	sdelay $0x1  }
0x2: {  	s1 =	srdreg.scid  }
0x3: {  	s0 =	sand.u32 $0x1, s1  }
0x4: {  	s18 =	sshll.u32 s0, $0xA;
	s2 =	sadd.s32 s3, s2  }
0x5: {  	s2 =	sadd.s32 s2, s18  }
0x6: {  	[smem:$0x3FC5] =	sst s2  }
0x7: {  	_ = 	snop  }
0x8: {  	s2 =	sld [smem:$0x3FD0];
	(tm) =	ssettm $0x1  }
0x9: {  	s19 =	sld [smem:$0x3FFB];
	_ =	sdelay $0x3  }
0xa: {  	_ =	strace s19  }
0xb: {  	s3 =	sld [smem:$0x3FFC];
	_ =	sdelay $0x3  }
0xc: {  	_ =	strace s3  }
0xd: {  	s3 =	sld [smem:$0x3FFD];
	_ =	sdelay $0x3  }
0xe: {  	_ =	strace s3  }
0xf: {  	_ =	strace $0x8FFFFFFF  }
0x10: {  	s20 =	sld [smem:$0x3FDB];
	_ =	sdelay $0x1  }
0x11: {  	s4 =	simm.s32 $_scs_section_size  }
0x12: {  	s5 =	simm.s32 $_size__tile_overlayer_lowered;
	s6 =	simm.s32 $_tile_overlayer_lowered  }
0x13: {  	s23 =	simm.s32 $0x1BFF;
	s22 =	sshll.u32 s6, $0x1;
	s3 =	sadd.s32 s4, s20  }
0x14: {  	s7 =	simm.s32 $0x0;
	s21 =	sshll.u32 s5, $0x1;
	s5 =	sadd.s32 s22, s3  }
0x15: {  	[timem:s7], [sflag:s23] =	dma.local [hbm:s5], s21  }
0x16: {  	_ =	swait.ge [sflag:s23], s21  }
0x17: {  	s4 =	ssub.s32 $0x0, s21;
	[sflag:s23] =	ssyncset.done $0x0  }
0x18: {  	[sflag:s23] =	ssyncadd.s32 s4;
	_ =	sdelay $0x1  }
0x19: {  	s24 =	simm.s32 $0x1B8B  }
0x1a: {  	_ =	swait.ge [sflag:s24], $0x1  }
0x1b: {  	[sflag:s24] =	ssyncset.done $0x0  }
0x1c: {  	s26 =	simm.s32 $0x1B8E;
	s25 =	sld [smem:$0x3FFE];
	[sflag:s24] =	ssyncadd.s32 $0xFFFFFFFF  }
0x1d: {  	s27 =	simm.s32 $execute0_lowered;
	[smem:$0x3FD2] =	sst s26  }
0x1e: {  	s5 =	sshll.u32 s27, $0x1;
	_ =	strace $0x80000046;
	[dreg:$0x1] =	wrdreg $0xFFFFFFFF  }
0x1f: {  	s28 =	simm.s32 $_size_execute0_lowered;
	s3 =	sadd.s32 s3, s5;
	[dreg:$0x0] =	wrdreg $0x0  }
0x20: {  	s5 =	sshll.u32 s28, $0x1;
	[dreg:$0x2] =	wrdreg s3  }
0x21: {  	[dreg:$0x3] =	wrdreg s5  }
0x22: {  	[dreg:$0x4] =	wrdreg $0xC0  }
0x23: {  	_ =	task [dreg:s7], $0x5FFFF  }
0x24: {  	[dreg:$0x1] =	wrdreg $0xFFFFFFFF  }
0x25: {  	[dreg:$0x0] =	wrdreg $0x60  }
0x26: {  	[dreg:$0x2] =	wrdreg s2  }
0x27: {  	[dreg:$0x3] =	wrdreg s25  }
0x28: {  	[dreg:$0x4] =	wrdreg $0x9  }
0x29: {  	_ =	task.clear_ibuf [dreg:s7], $0x5FFFF;
	_ =	strace $0x90000046  }
0x2a: {  	s29 =	simm.s32 $0x9;
	_ =	strace $0x80000048  }
0x2b: {  	_ =	swait.ge [sflag:s29], $0x1  }
0x2c: {  	[sflag:s29] =	ssyncadd.s32 $0xFFFFFFFF  }
0x2d: {  	_ =	strace $0x90000048  }
0x2e: {  	_ =	sfence  }
0x2f: {  	s30 =	sld [smem:$0x0];
	_ =	sdelay $0x2  }
0x30: {  	s31 =	sshll.u32 s1, $0xD;
	s1 =	sshrl.u32 s1, $0x2  }
0x31: {  	s3 =	sand.u32 $0x4000, s31;
	s1 =	sadd.s32 s1, s30  }
0x32: {  	s0 =	sor.u32 s3, s0;
	s1 =	sshll.u32 s1, $0x11  }
0x33: {  	s0 =	sor.u32 s1, s0  }
0x34: {  	s0 =	sadd.s32 $0x8F2B, s0  }
0x35: {  	[sflag:s0] =	ssyncadd.remote.s32 $0x1  }
0x36: {  	_ =	sfence.sel $0xFFFF  }
0x37: {  	[dreg:$0x0] =	wrdreg $0xFFFFFFFF;
	(pc) =	sbr.abs _section_cstart, $3  }
0x38: {  	[dreg:$0x1] =	wrdreg $0xFFFFFFFF  }
0x39: {  	_ =	task.clear_ibuf [dreg:s7], $0x2FFFF;
	_ =	strace $0x9FFFFFFF  }
0x3a: {  	(tm) =	ssettm $0x7FFFFFFF  }
0x3b: {  	_ =	shalt  }
tec
execute0_lowered:
.L_overlay_start_1:
0x0: {  	(tag) =	ssettag $0x1  }
0x1: {  	s2 =	rddreg [dreg:$0x0]  }
0x2: {  	s0 =	srdreg.scid;
	s4 =	rddreg [dreg:$0x1]  }
0x3: {  	s1 =	stileid.u32;
	s5 =	simm.s32 $0x1;
	s0 =	sshll.u32 s0, $0x4  }
0x4: {  	s7 =	simm.s32 $0x2;
	s8 =	simm.s32 $0x0;
	s3 =	sand.u32 $0x10, s0  }
.Ltmp0:
0x5: {  	s12 =	simm.s32 $0x0;
	s3 =	sor.u32 s1, s3;
	(pc) =	sbr.rel .LBB1_1-.Ltmp0, $4  }
0x6: {  	s10 =	simm.s32 $0x0;
	s11 =	simm.s32 $0x0;
	s3 =	sshll.u32 s3, $0x3  }
0x7: {  	s0 =	rddreg [dreg:$0x2];
	_ =	strace $0x80000047;
	s6 =	ssub.s32 $0x3D08, s3  }
0x8: {  	s4 =	sadd.s32 $0xE00, s4;
	[sflag:s5] =	ssyncpa.u1 $0x0;
	s6 =	sshrl.u32 s6, $0x8  }
0x9: {  	[sflag:s7] =	ssyncpa.u1 $0x0;
	s9 =	smov.u32 s3;
	s7 =	sor.u32 $0x2, s6  }
.LBB1_9:
0xa: {  	s14 =	sshll.u32 s10, $0x7  }
0xb: {  	s14 =	sadd.s32 s4, s14  }
0xc: {  	[hbm4b:s14+s8] =	stream.linear.scatter [tilespmem:s15], [sflag:$0x2], s13, $0x38;
	[tilespmem:$0x8000] =	vst v63  }
.LBB1_10:
0xd: {  	p0 =	slt.u32 s11, $0x2  }
0xe: {  	p1 =	sgt.s32 @!p0 s12, $0x3D01  }
0xf: {  	s13 =	smov.u32 s12;
	s14 =	sshra.s32 @!p0 s12, $0x1F;
	p1 =	por !p1, p0  }
0x10: {  	s12 =	sand.u32 @!p0 s14, s12;
	s13 =	simm.s32 @p1 $0x3D01  }
0x11: {  	s12 =	ssub.s32 @!p0 s13, s12  }
0x12: {  	s12 =	sadd.s32 @!p0 $0xFFFFC2FF, s12  }
0x13: {  	s13 =	sshll.u32 @!p0 s12, $0xC  }
0x14: {  	p1 =	sgt.s32 @!p0 s12, $0x7;
	s12 =	ssub.s32 @!p0 $0x8000, s13  }
0x15: {  	s14 =	sadd.s32 $0x100, s9;
	p1 =	por !p1, p0;
	s12 =	sshrl.u32 @!p0 s12, $0x2  }
0x16: {  	s12 =	simm.s32 @!p1 $0x0;
	p1 =	sgt.s32 s14, $0x3D08  }
0x17: {  	s14 =	smov.u32 @p1 s3;
	p1 =	sne.s32 s11, s7  }
.Ltmp1:
0x18: {  	_ = 	snop;
	(pc) =	sbr.rel @!p1 .LBB1_11-.Ltmp1, $4  }
0x19: {  	s13 =	simm.s32 @!p0 $0x2  }
0x1a: {  	_ =	swait.ge @!p0 [sflag:s13], s12;
	s15 =	ssub.s32 @!p0 $0x0, s12  }
0x1b: {  	s12 =	smov.u32 s10;
	s11 =	sadd.s32 $0x1, s11;
	[sflag:s13] =	ssyncset.done @!p0 $0x0  }
0x1c: {  	s10 =	smov.u32 s9;
	s9 =	smov.u32 s14;
	[sflag:s13] =	ssyncadd.s32 @!p0 s15  }
.LBB1_1:
0x1d: {  	p0 =	sgt.u32 s11, s6  }
0x1e: {  	p1 =	sgt.s32 @!p0 s9, $0x3D01  }
0x1f: {  	s13 =	smov.u32 s9;
	s14 =	sshra.s32 @!p0 s9, $0x1F;
	p1 =	por !p1, p0  }
0x20: {  	s14 =	sand.u32 @!p0 s14, s9;
	s13 =	simm.s32 @p1 $0x3D01  }
0x21: {  	s13 =	ssub.s32 @!p0 s13, s14  }
0x22: {  	s13 =	sadd.s32 @!p0 $0xFFFFC2FF, s13  }
0x23: {  	s15 =	sshll.u32 @!p0 s9, $0x7;
	s16 =	simm.s32 @!p0 $0x0;
	s14 =	sshll.u32 @!p0 s13, $0xC  }
0x24: {  	p1 =	sgt.s32 @!p0 s13, $0x7;
	s13 =	ssub.s32 @!p0 $0x8000, s14;
	s14 =	sxor.u32 @!p0 $0xFFFFFFFF, s11  }
0x25: {  	p1 =	por !p1, p0;
	s13 =	sshrl.u32 @!p0 s13, $0x2;
	s14 =	sshll.u32 @!p0 s14, $0xD  }
0x26: {  	s15 =	sadd.s32 @!p0 s2, s15;
	s13 =	simm.s32 @!p1 $0x0;
	s14 =	sand.u32 @!p0 $0x2000, s14  }
0x27: {  	[tilespmem:s14], [sflag:$0x1] =	stream.linear.gather @!p0 [hbm4b:s15+s16], s13, $0x38;
	[tilespmem:$0x8000] =	vst v63  }
0x28: {  	p0 =	seq.s32 s11, $0x0  }
0x29: {  	p1 =	sge.u32 @!p0 s11, s7  }
0x2a: {  	p0 =	por p0, p1  }
.Ltmp2:
0x2b: {  	_ = 	snop;
	(pc) =	sbr.rel @p0 .LBB1_10-.Ltmp2, $1  }
0x2c: {  	_ =	sdelay $0x3  }
0x2d: {  	p0 =	sgt.s32 s10, $0x3D01;
	s13 =	smov.u32 s10;
	s14 =	sshra.s32 s10, $0x1F  }
0x2e: {  	s13 =	simm.s32 @!p0 $0x3D01;
	s14 =	sand.u32 s14, s10  }
0x2f: {  	s13 =	ssub.s32 s13, s14  }
0x30: {  	s13 =	sadd.s32 $0xFFFFC2FF, s13  }
0x31: {  	s31 =	sshll.u32 s13, $0xC  }
0x32: {  	s14 =	ssub.s32 $0x8000, s31  }
0x33: {  	p0 =	sgt.s32 s13, $0x7;
	s13 =	sshrl.u32 s14, $0x2;
	s14 =	sadd.s32 $0x8, s10  }
0x34: {  	s13 =	simm.s32 @p0 $0x0;
	p0 =	slt.s32 s14, $0x3D09  }
0x35: {  	s14 =	simm.s32 @!p0 $0x3D09  }
0x36: {  	s14 =	ssub.s32 s14, s10  }
0x37: {  	p0 =	slt.s32 s14, $0x1  }
.Ltmp3:
0x38: {  	_ = 	snop;
	(pc) =	sbr.rel @p0 .LBB1_9-.Ltmp3, $4  }
0x39: {  	s16 =	sshll.u32 s11, $0xF  }
0x3a: {  	s16 =	sand.u32 $0x8000, s16;
	_ =	swait.ge [sflag:s5], s13  }
0x3b: {  	s16 =	sshrl.u32 s16, $0x2;
	s15 =	ssub.s32 $0x0, s13;
	[sflag:s5] =	ssyncset.done $0x0  }
0x3c: {  	[sflag:s5] =	ssyncadd.s32 s15;
	s15 =	sor.u32 $0x4000, s16  }
0x3d: {  	s17 =	simm.s32 $0x0  }
.LBB1_4:
0x3e: {  	s18 =	sshll.u32 s17, $0xC  }
0x3f: {  	s18 =	sshra.s32 s18, $0x2  }
0x40: {  	s19 =	sadd.s32 s18, s16  }
0x41: {  	s20 =	sadd.s32 $0x100, s19;
	v0 =	vmov s19  }
0x42: {  	s21 =	sadd.s32 $0x200, s19;
	v1 =	vmov s20  }
0x43: {  	s22 =	sadd.s32 $0x300, s19;
	v2 =	vmov s21  }
0x44: {  	p1 =	por $0x1, $0x1;
	s18 =	sadd.s32 s18, s15;
	v3 =	vmov s22;
	s20 =	simm.s32 $0x0  }
.LBB1_5:
0x45: {  	s19 =	sshll.u32 s20, $0x7  }
0x46: {  	s21 =	sand.u32 $0x3FFFFF80, s19  }
0x47: {  	p0 =	por p1, p1;
	s21 =	sadd.s32 s21, s18  }
0x48: {  	s22 =	sadd.s32 $0x80, s21;
	s23 =	sadd.s32 $0x100, s21;
	s24 =	sadd.s32 $0x180, s21;
	v4 =	vmov s21  }
0x49: {  	s20 =	sshll.u32 s20, $0x5;
	p1 =	por $0x1, $0x1;
	s21 =	simm.s32 $0x0;
	v5 =	vmov s22;
	v6 =	vmov s23;
	v7 =	vmov s24  }
.LBB1_6:
0x4a: {  	s22 =	sor.u32 s20, s21  }
0x4b: {  	v8 =	vld.idx.msk [tilespmem:v0+s22+$0x0 ss:$0x1], $0xffff  }
0x4c: {  	v9 =	vld.idx.msk [tilespmem:v1+s22+$0x0 ss:$0x1], $0xffff  }
0x4d: {  	v10 =	vld.idx.msk [tilespmem:v2+s22+$0x0 ss:$0x1], $0xffff;
	_ =	sdelay $0x1  }
0x4e: {  	v13 =	vld.idx.msk [tilespmem:v3+s22+$0x0 ss:$0x1], $0xffff  }
0x4f: {  	v24 =	vld.idx.msk [tilespmem:v0+s22+$0x10 ss:$0x1], $0xffff;
	v11 =	vshrl.u32 v8, $0x10;
	v12 =	vshrl.u32 v8, $0x8;
	v14 =	vshrl.u32 v8, $0x18  }
0x50: {  	v38 =	vld.idx.msk [tilespmem:v1+s22+$0x10 ss:$0x1], $0xffff;
	v8 =	vand.u32 $0xFF, v8;
	v15 =	vshrl.u32 v9, $0x10;
	v16 =	vshrl.u32 v9, $0x8  }
0x51: {  	v43 =	vld.idx.msk [tilespmem:v2+s22+$0x10 ss:$0x1], $0xffff;
	v17 =	vshrl.u32 v9, $0x18;
	v9 =	vand.u32 $0xFF, v9;
	v18 =	vshrl.u32 v10, $0x10  }
0x52: {  	v46 =	vld.idx.msk [tilespmem:v3+s22+$0x10 ss:$0x1], $0xffff;
	v19 =	vshrl.u32 v10, $0x8;
	v20 =	vshrl.u32 v10, $0x18;
	v10 =	vand.u32 $0xFF, v10  }
0x53: {  	v21 =	vshrl.u32 v13, $0x18;
	v22 =	vshrl.u32 v13, $0x10;
	v23 =	vshrl.u32 v13, $0x8  }
0x54: {  	v13 =	vand.u32 $0xFF, v13;
	v44 =	vshrl.u32 v24, $0x10;
	v45 =	vshrl.u32 v24, $0x8  }
0x55: {  	v47 =	vshrl.u32 v24, $0x18;
	v48 =	vand.u32 $0xFF, v24;
	v49 =	vshrl.u32 v38, $0x10  }
0x56: {  	v50 =	vshrl.u32 v38, $0x8;
	v51 =	vshrl.u32 v38, $0x18;
	v52 =	vshrl.u32 v43, $0x10  }
0x57: {  	v53 =	vshrl.u32 v43, $0x8;
	v54 =	vshrl.u32 v43, $0x18;
	v25 =	vshrl.u32 v46, $0x10  }
0x58: {  	v26 =	vand.u32 $0xFF, v46;
	v55 =	vshrl.u32 v46, $0x8;
	v11 =	vand.u32 $0xFF, v11  }
0x59: {  	v12 =	vand.u32 $0xFF, v12;
	v15 =	vand.u32 $0xFF, v15;
	v16 =	vand.u32 $0xFF, v16  }
0x5a: {  	v18 =	vand.u32 $0xFF, v18;
	v19 =	vand.u32 $0xFF, v19;
	v22 =	vand.u32 $0xFF, v22  }
0x5b: {  	v23 =	vand.u32 $0xFF, v23;
	v8 =	vpack.i.b32.b16 v10, v8;
	v9 =	vpack.i.b32.b16 v13, v9  }
0x5c: {  	s23 =	sshll.u32 s21, $0x2;
	v41 =	vpack.i.b32.b16 v20, v14;
	v42 =	vpack.i.b32.b16 v21, v17;
	v13 =	vand.u32 $0xFF, v44  }
0x5d: {  	s21 =	sor.u32 $0x80, s23;
	v20 =	vand.u32 $0xFF, v50;
	v14 =	vand.u32 $0xFF, v43;
	v25 =	vand.u32 $0xFF, v25  }
0x5e: {  	s31 =	sor.u32 s19, s21;
	v62 =	vpack.i.b32.b16 v54, v47;
	v8 =	vpack.i.b16.b8 v9, v8;
	v36 =	vpack.i.b32.b16 v19, v12  }
0x5f: {  	s22 =	sshra.s32 s31, $0x2;
	v37 =	vpack.i.b32.b16 v23, v16;
	v39 =	vpack.i.b32.b16 v18, v11;
	v40 =	vpack.i.b32.b16 v22, v15  }
0x60: {  	v56 =	vld.idx.msk [tilespmem:v0+s22+$0x0 ss:$0x1], $0xffff;
	v11 =	vpack.i.b16.b8 v42, v41;
	v15 =	vand.u32 $0xFF, v45;
	v19 =	vand.u32 $0xFF, v49  }
0x61: {  	v59 =	vld.idx.msk [tilespmem:v1+s22+$0x0 ss:$0x1], $0xffff;
	v12 =	vand.u32 $0xFF, v38;
	v22 =	vand.u32 $0xFF, v52;
	v23 =	vand.u32 $0xFF, v53  }
0x62: {  	v61 =	vld.idx.msk [tilespmem:v2+s22+$0x0 ss:$0x1], $0xffff;
	v14 =	vpack.i.b32.b16 v14, v48;
	v16 =	vshrl.u32 v46, $0x18;
	v18 =	vand.u32 $0xFF, v55  }
0x63: {  	v63 =	vld.idx.msk [tilespmem:v3+s22+$0x0 ss:$0x1], $0xffff;
	v9 =	vpack.i.b16.b8 v37, v36;
	v10 =	vpack.i.b16.b8 v40, v39;
	v12 =	vpack.i.b32.b16 v26, v12  }
0x64: {  	v57 =	vpack.i.b32.b16 v23, v15;
	v58 =	vpack.i.b32.b16 v18, v20;
	v13 =	vpack.i.b32.b16 v22, v13  }
0x65: {  	v60 =	vpack.i.b32.b16 v25, v19;
	v16 =	vpack.i.b32.b16 v16, v51;
	v25 =	vshrl.u32 v56, $0x10  }
0x66: {  	v27 =	vshrl.u32 v56, $0x8;
	v28 =	vshrl.u32 v56, $0x18;
	v29 =	vand.u32 $0xFF, v56  }
0x67: {  	v30 =	vshrl.u32 v59, $0x18;
	v31 =	vshrl.u32 v59, $0x10;
	v32 =	vshrl.u32 v59, $0x8  }
0x68: {  	s23 =	sshra.s32 s23, $0x2;
	v33 =	vand.u32 $0xFF, v61;
	v18 =	vand.u32 $0xFF, v59;
	v34 =	vand.u32 $0xFF, v63  }
0x69: {  	v35 =	vshrl.u32 v61, $0x10;
	[tilespmem:v4+s23+$0x0 ss:$0x1] =	vst.idx.msk $0xffff, v8;
	v8 =	vshrl.u32 v61, $0x18;
	v19 =	vshrl.u32 v61, $0x8  }
0x6a: {  	v37 =	vshrl.u32 v63, $0x8;
	v39 =	vshrl.u32 v63, $0x10;
	v40 =	vshrl.u32 v63, $0x18  }
0x6b: {  	v12 =	vpack.i.b16.b8 v12, v14;
	v14 =	vpack.i.b16.b8 v58, v57;
	v13 =	vpack.i.b16.b8 v60, v13  }
0x6c: {  	v15 =	vpack.i.b16.b8 v16, v62;
	v16 =	vand.u32 $0xFF, v25;
	v20 =	vand.u32 $0xFF, v27  }
0x6d: {  	[tilespmem:v7+s23+$0x0 ss:$0x1] =	vst.idx.msk $0xffff, v11;
	v24 =	vand.u32 $0xFF, v31;
	v22 =	vpack.i.b32.b16 v33, v29;
	v25 =	vand.u32 $0xFF, v32  }
0x6e: {  	v43 =	vld.idx.msk [tilespmem:v2+s22+$0x10 ss:$0x1], $0xffff;
	v18 =	vpack.i.b32.b16 v34, v18;
	v26 =	vand.u32 $0xFF, v35;
	[tilespmem:v5+s23+$0x0 ss:$0x1] =	vst.idx.msk $0xffff, v9;
	v36 =	vand.u32 $0xFF, v19  }
0x6f: {  	v38 =	vld.idx.msk [tilespmem:v0+s22+$0x10 ss:$0x1], $0xffff;
	[tilespmem:v6+s23+$0x0 ss:$0x1] =	vst.idx.msk $0xffff, v10;
	v19 =	vand.u32 $0xFF, v37;
	v10 =	vand.u32 $0xFF, v39;
	v8 =	vpack.i.b32.b16 v8, v28  }
0x70: {  	v42 =	vld.idx.msk [tilespmem:v1+s22+$0x10 ss:$0x1], $0xffff;
	v11 =	vpack.i.b32.b16 v40, v30;
	v18 =	vpack.i.b16.b8 v18, v22;
	v9 =	vpack.i.b32.b16 v36, v20  }
0x71: {  	v41 =	vpack.i.b32.b16 v19, v25;
	v16 =	vpack.i.b32.b16 v26, v16;
	v10 =	vpack.i.b32.b16 v10, v24  }
0x72: {  	v46 =	vld.idx.msk [tilespmem:v3+s22+$0x10 ss:$0x1], $0xffff;
	v8 =	vpack.i.b16.b8 v11, v8;
	v9 =	vpack.i.b16.b8 v41, v9;
	v10 =	vpack.i.b16.b8 v10, v16  }
0x73: {  	v53 =	vshrl.u32 v43, $0x18;
	v54 =	vshrl.u32 v43, $0x8;
	v55 =	vshrl.u32 v43, $0x10  }
0x74: {  	[tilespmem:v4+s23+$0x10 ss:$0x1] =	vst.idx.msk $0xffff, v12;
	v16 =	vand.u32 $0xFF, v43;
	v44 =	vshrl.u32 v38, $0x10;
	v45 =	vshrl.u32 v38, $0x8  }
0x75: {  	[tilespmem:v5+s23+$0x10 ss:$0x1] =	vst.idx.msk $0xffff, v14;
	v47 =	vshrl.u32 v38, $0x18;
	v48 =	vand.u32 $0xFF, v38;
	v49 =	vshrl.u32 v42, $0x10  }
0x76: {  	[tilespmem:v6+s23+$0x10 ss:$0x1] =	vst.idx.msk $0xffff, v13;
	v50 =	vshrl.u32 v42, $0x8;
	v51 =	vshrl.u32 v42, $0x18;
	v52 =	vand.u32 $0xFF, v42  }
0x77: {  	s21 =	sshrl.u32 s21, $0x2;
	[tilespmem:v7+s23+$0x10 ss:$0x1] =	vst.idx.msk $0xffff, v15;
	v22 =	vand.u32 $0xFF, v54;
	v56 =	vshrl.u32 v46, $0x10;
	v57 =	vshrl.u32 v46, $0x8  }
0x78: {  	[tilespmem:v5+s21+$0x0 ss:$0x1] =	vst.idx.msk $0xffff, v9;
	v58 =	vand.u32 $0xFF, v46;
	v9 =	vand.u32 $0xFF, v55;
	v11 =	vand.u32 $0xFF, v44  }
0x79: {  	[tilespmem:v4+s21+$0x0 ss:$0x1] =	vst.idx.msk $0xffff, v18;
	v12 =	vand.u32 $0xFF, v45;
	v20 =	vand.u32 $0xFF, v49;
	v21 =	vand.u32 $0xFF, v50  }
0x7a: {  	[tilespmem:v7+s21+$0x0 ss:$0x1] =	vst.idx.msk $0xffff, v8;
	v8 =	vand.u32 $0xFF, v57;
	v13 =	vpack.i.b32.b16 v16, v48;
	v59 =	vpack.i.b32.b16 v58, v52  }
0x7b: {  	p2 =	por p1, p1;
	[tilespmem:v6+s21+$0x0 ss:$0x1] =	vst.idx.msk $0xffff, v10;
	v10 =	vand.u32 $0xFF, v56;
	v12 =	vpack.i.b32.b16 v22, v12;
	v8 =	vpack.i.b32.b16 v8, v21  }
.Ltmp4:
0x7c: {  	v62 =	vpack.i.b32.b16 v53, v47;
	v13 =	vpack.i.b16.b8 v59, v13;
	v8 =	vpack.i.b16.b8 v8, v12;
	(pc) =	sbr.rel @p2 .LBB1_6-.Ltmp4, $4  }
0x7d: {  	v60 =	vshrl.u32 v46, $0x18;
	v61 =	vpack.i.b32.b16 v10, v20;
	[tilespmem:v5+s21+$0x10 ss:$0x1] =	vst.idx.msk $0xffff, v8;
	v8 =	vpack.i.b32.b16 v9, v11  }
0x7e: {  	v63 =	vpack.i.b32.b16 v60, v51;
	[tilespmem:v4+s21+$0x10 ss:$0x1] =	vst.idx.msk $0xffff, v13;
	v8 =	vpack.i.b16.b8 v61, v8  }
0x7f: {  	[tilespmem:v6+s21+$0x10 ss:$0x1] =	vst.idx.msk $0xffff, v8;
	v8 =	vpack.i.b16.b8 v63, v62  }
0x80: {  	p1 =	por $0x0, $0x0;
	[tilespmem:v7+s21+$0x10 ss:$0x1] =	vst.idx.msk $0xffff, v8;
	s21 =	simm.s32 $0x40  }
.Ltmp5:
0x81: {  	(pc) =	sbr.rel @p0 .LBB1_5-.Ltmp5, $2  }
0x82: {  	_ =	sdelay $0x2  }
0x83: {  	s20 =	simm.s32 $0x4;
	p1 =	por $0x0, $0x0  }
0x84: {  	s17 =	sadd.s32 $0x1, s17  }
0x85: {  	p0 =	sne.s32 s17, s14  }
.Ltmp6:
0x86: {  	_ = 	snop;
	(pc) =	sbr.rel @p0 .LBB1_4-.Ltmp6, $4  }
.Ltmp7:
0x87: {  	_ = 	snop;
	(pc) =	sbr.rel @!p0 .LBB1_9-.Ltmp7, $4  }
0x88: {  	_ = 	snop  }
0x89: {  	_ = 	snop  }
0x8a: {  	_ = 	snop  }
0x8b: {  	_ = 	snop  }
.LBB1_11:
0x8c: {  	_ =	sfence.sel $0x180000  }
0x8d: {  	s2 =	simm.s32 $0x1;
	[bflag:$0x0] =	sbarrier.arrive $0xFFFF  }
0x8e: {  	s31 =	simm.s32 $0x2;
	[sflag:s2] =	ssyncpa.u1 $0x1  }
0x8f: {  	[sflag:s31] =	ssyncpa.u1 $0x1  }
0x90: {  	p0 =	sne.s32 s1, $0x0;
	_ =	strace $0x90000047  }
0x91: {  	s0 =	sadd.s32 @!p0 $0x100000, s0;
	[bflag:$0x2] =	sbarrier.arrive $0xFFFF  }
0x92: {  	[sflag:s0] =	ssyncadd.tile.s32 @!p0 $0x1;
	_ =	shalt  }
.Lfunc_end1:
_tile_overlayer_lowered:
.L_overlay_start_2:
0x93: {  	(tag) =	ssettag $0x2  }
0x94: {  	s0 =	rddreg [dreg:$0x0];
	s2 =	stileid.u32  }
0x95: {  	s1 =	rddreg [dreg:$0x1];
	p0 =	sne.s32 s2, $0x0  }
0x96: {  	s3 =	rddreg [dreg:$0x2];
	[bflag:$0x3] =	sbarrier.arrive $0xFFFF;
	s2 =	simm.s32 @!p0 $0x1C01  }
0x97: {  	[timem:s3], [sflag:s2] =	dma.local @!p0 [hbm:s0], s1  }
0x98: {  	s0 =	simm.s32 @!p0 $0x1  }
0x99: {  	_ =	swait.ge @!p0 [sflag:s0], s1  }
0x9a: {  	s1 =	ssub.s32 @!p0 $0x0, s1;
	[sflag:s0] =	ssyncset.done @!p0 $0x0  }
0x9b: {  	[sflag:s0] =	ssyncadd.s32 @!p0 s1  }
0x9c: {  	[bflag:$0x3] =	sbarrier.arrive $0xFFFF  }
0x9d: {  	_ =	shalt  }

// kernel: sparse-core-data-format-call.cloned.1.call-start
scs
called_computation_lowered:
.L_overlay_start_0:
0x0: {  	s2 =	sld [smem:$0x3FD9]  }
0x1: {  	s3 =	sld [smem:$0x3FFE];
	_ =	sdelay $0x1  }
0x2: {  	s1 =	srdreg.scid  }
0x3: {  	s0 =	sand.u32 $0x1, s1  }
0x4: {  	s18 =	sshll.u32 s0, $0xA;
	s2 =	sadd.s32 s3, s2  }
0x5: {  	s2 =	sadd.s32 s2, s18  }
0x6: {  	[smem:$0x3FC5] =	sst s2  }
0x7: {  	_ = 	snop  }
0x8: {  	s2 =	sld [smem:$0x3FD0];
	(tm) =	ssettm $0x1  }
0x9: {  	s19 =	sld [smem:$0x3FFB];
	_ =	sdelay $0x3  }
0xa: {  	_ =	strace s19  }
0xb: {  	s3 =	sld [smem:$0x3FFC];
	_ =	sdelay $0x3  }
0xc: {  	_ =	strace s3  }
0xd: {  	s3 =	sld [smem:$0x3FFD];
	_ =	sdelay $0x3  }
0xe: {  	_ =	strace s3  }
0xf: {  	_ =	strace $0x8FFFFFFF  }
0x10: {  	s20 =	sld [smem:$0x3FDB];
	_ =	sdelay $0x1  }
0x11: {  	s4 =	simm.s32 $_scs_section_size  }
0x12: {  	s5 =	simm.s32 $_size__tile_overlayer_lowered;
	s6 =	simm.s32 $_tile_overlayer_lowered  }
0x13: {  	s23 =	simm.s32 $0x1BFF;
	s22 =	sshll.u32 s6, $0x1;
	s3 =	sadd.s32 s4, s20  }
0x14: {  	s7 =	simm.s32 $0x0;
	s21 =	sshll.u32 s5, $0x1;
	s5 =	sadd.s32 s22, s3  }
0x15: {  	[timem:s7], [sflag:s23] =	dma.local [hbm:s5], s21  }
0x16: {  	_ =	swait.ge [sflag:s23], s21  }
0x17: {  	s4 =	ssub.s32 $0x0, s21;
	[sflag:s23] =	ssyncset.done $0x0  }
0x18: {  	[sflag:s23] =	ssyncadd.s32 s4;
	_ =	sdelay $0x1  }
0x19: {  	s24 =	simm.s32 $0x1B8B  }
0x1a: {  	_ =	swait.ge [sflag:s24], $0x1  }
0x1b: {  	[sflag:s24] =	ssyncset.done $0x0  }
0x1c: {  	s26 =	simm.s32 $0x1B8E;
	s25 =	sld [smem:$0x3FFE];
	[sflag:s24] =	ssyncadd.s32 $0xFFFFFFFF  }
0x1d: {  	s27 =	simm.s32 $execute0_lowered;
	[smem:$0x3FD2] =	sst s26  }
0x1e: {  	s5 =	sshll.u32 s27, $0x1;
	_ =	strace $0x8000004C;
	[dreg:$0x1] =	wrdreg $0xFFFFFFFF  }
0x1f: {  	s28 =	simm.s32 $_size_execute0_lowered;
	s3 =	sadd.s32 s3, s5;
	[dreg:$0x0] =	wrdreg $0x0  }
0x20: {  	s5 =	sshll.u32 s28, $0x1;
	[dreg:$0x2] =	wrdreg s3  }
0x21: {  	[dreg:$0x3] =	wrdreg s5  }
0x22: {  	[dreg:$0x4] =	wrdreg $0xC0  }
0x23: {  	_ =	task [dreg:s7], $0x5FFFF  }
0x24: {  	[dreg:$0x1] =	wrdreg $0xFFFFFFFF  }
0x25: {  	[dreg:$0x0] =	wrdreg $0x60  }
0x26: {  	[dreg:$0x2] =	wrdreg s25  }
0x27: {  	[dreg:$0x3] =	wrdreg s2  }
0x28: {  	[dreg:$0x4] =	wrdreg $0x9  }
0x29: {  	_ =	task.clear_ibuf [dreg:s7], $0x5FFFF;
	_ =	strace $0x9000004C  }
0x2a: {  	s29 =	simm.s32 $0x9;
	_ =	strace $0x8000004E  }
0x2b: {  	_ =	swait.ge [sflag:s29], $0x1  }
0x2c: {  	[sflag:s29] =	ssyncadd.s32 $0xFFFFFFFF  }
0x2d: {  	_ =	strace $0x9000004E  }
0x2e: {  	_ =	sfence  }
0x2f: {  	s30 =	sld [smem:$0x0];
	_ =	sdelay $0x2  }
0x30: {  	s31 =	sshll.u32 s1, $0xD;
	s1 =	sshrl.u32 s1, $0x2  }
0x31: {  	s3 =	sand.u32 $0x4000, s31;
	s1 =	sadd.s32 s1, s30  }
0x32: {  	s0 =	sor.u32 s3, s0;
	s1 =	sshll.u32 s1, $0x11  }
0x33: {  	s0 =	sor.u32 s1, s0  }
0x34: {  	s0 =	sadd.s32 $0x8F2B, s0  }
0x35: {  	[sflag:s0] =	ssyncadd.remote.s32 $0x1  }
0x36: {  	_ =	sfence.sel $0xFFFF  }
0x37: {  	[dreg:$0x0] =	wrdreg $0xFFFFFFFF;
	(pc) =	sbr.abs _section_cstart, $3  }
0x38: {  	[dreg:$0x1] =	wrdreg $0xFFFFFFFF  }
0x39: {  	_ =	task.clear_ibuf [dreg:s7], $0x2FFFF;
	_ =	strace $0x9FFFFFFF  }
0x3a: {  	(tm) =	ssettm $0x7FFFFFFF  }
0x3b: {  	_ =	shalt  }
tec
execute0_lowered:
.L_overlay_start_1:
0x0: {  	(tag) =	ssettag $0x1  }
0x1: {  	s0 =	srdreg.scid  }
0x2: {  	s1 =	sshll.u32 s0, $0x4  }
0x3: {  	s0 =	stileid.u32;
	s1 =	sand.u32 $0x10, s1  }
0x4: {  	s7 =	rddreg [dreg:$0x0];
	s1 =	sor.u32 s0, s1  }
0x5: {  	s4 =	simm.s32 $0x1;
	s8 =	simm.s32 $0x2;
	s2 =	sshll.u32 s1, $0x7  }
0x6: {  	s13 =	simm.s32 $0x0;
	s9 =	simm.s32 $0x20000;
	s1 =	ssub.s32 $0x4000, s2  }
0x7: {  	s14 =	simm.s32 $0x0;
	s11 =	simm.s32 $0x0;
	s3 =	sand.u32 $0xF80, s1  }
0x8: {  	s12 =	simm.s32 $0x0;
	s5 =	sshrl.u32 s1, $0xC;
	p0 =	sne.s32 s3, $0x0  }
.Ltmp0:
0x9: {  	s1 =	rddreg [dreg:$0x2];
	s4 =	simm.s32 @!p0 $0x0;
	(pc) =	sbr.rel .LBB1_1-.Ltmp0, $4  }
0xa: {  	s6 =	sadd.s32 $0xE00, s7;
	s3 =	rddreg [dreg:$0x1];
	s5 =	sadd.s32 s4, s5  }
0xb: {  	_ =	strace $0x8000004D;
	s4 =	simm.s32 $0x1;
	s5 =	smul.u32 $0x19, s5  }
0xc: {  	s7 =	sadd.s32 $0x40E00, s7;
	s10 =	smov.u32 s2;
	[sflag:s4] =	ssyncpa.u1 $0x0  }
0xd: {  	p0 =	por $0x0, $0x0;
	[sflag:s8] =	ssyncpa.u1 $0x0;
	s8 =	sadd.s32 $0x1, s5  }
.LBB1_7:
0xe: {  	s15 =	sadd.s32 $0x1000, s10  }
0xf: {  	s13 =	sadd.s32 $0x2, s11;
	s17 =	smov.u32 s11;
	p2 =	sgt.s32 s15, $0x3FFF  }
0x10: {  	s17 =	smov.u32 @p2 s13  }
0x11: {  	s15 =	smov.u32 @p2 s2;
	p2 =	sgt.s32 s17, $0x31  }
0x12: {  	s17 =	simm.s32 @p2 $0x0;
	p2 =	sne.s32 s12, s8  }
.Ltmp1:
0x13: {  	p1 =	slt.u32 s12, $0x2;
	(pc) =	sbr.rel @!p2 .LBB1_8-.Ltmp1, $4  }
0x14: {  	s16 =	simm.s32 @!p1 $0x2  }
0x15: {  	s14 =	smov.u32 s11;
	p0 =	por !p0, !p0;
	_ =	swait.ge @!p1 [sflag:s16], $0x4000  }
0x16: {  	s13 =	smov.u32 s10;
	[sflag:s16] =	ssyncset.done @!p1 $0x0;
	s10 =	smov.u32 s15  }
0x17: {  	s12 =	sadd.s32 $0x1, s12;
	[sflag:s16] =	ssyncadd.s32 @!p1 $0xFFFFC000;
	s11 =	smov.u32 s17  }
.LBB1_1:
0x18: {  	p1 =	sge.u32 s12, s5  }
0x19: {  	s15 =	sxor.u32 @!p1 $0xFFFFFFFF, s12;
	s16 =	sshll.u32 @!p1 s11, $0x12  }
0x1a: {  	s17 =	sshll.u32 @!p1 s10, $0x4;
	s19 =	simm.s32 @!p1 $0x40;
	s20 =	simm.s32 @!p1 $0x80  }
0x1b: {  	s15 =	sshll.u32 @!p1 s15, $0xE;
	s17 =	sand.u32 @!p1 $0x3FFF0, s17;
	s18 =	sadd.s32 @!p1 s6, s16  }
0x1c: {  	s16 =	sadd.s32 @!p1 s16, s7;
	s15 =	sand.u32 @!p1 $0x4000, s15;
	s18 =	sadd.s32 @!p1 s17, s18  }
0x1d: {  	[tilespmem:s15], [sflag:$0x1] =	stream.strided.gather @!p1 [hbm4b:s18+s19], $0x2000, s20, s19, $0x38;
	[tilespmem:$0x10100] =	vst v63  }
0x1e: {  	s31 =	sadd.s32 $0xFFFFFFFF, s12;
	s16 =	sadd.s32 @!p1 s17, s16;
	s15 =	sor.u32 @!p1 $0x2000, s15  }
0x1f: {  	[tilespmem:s15], [sflag:$0x1] =	stream.strided.gather @!p1 [hbm4b:s16+s19], $0x2000, s20, s19, $0x38;
	[tilespmem:$0x10100] =	vst v63  }
0x20: {  	p1 =	sge.u32 s31, s5  }
.Ltmp2:
0x21: {  	_ = 	snop;
	(pc) =	sbr.rel @p1 .LBB1_7-.Ltmp2, $1  }
0x22: {  	_ =	sdelay $0x3  }
0x23: {  	s15 =	simm.s32 $0x1;
	s17 =	sand.u32 $0x1, s12  }
0x24: {  	_ =	swait.ge [sflag:s4], $0x4000;
	s15 =	simm.s32 @!p0 $0x0;
	s17 =	smul.u32 $0x10200, s17  }
0x25: {  	p2 =	por $0x1, $0x1;
	[sflag:s4] =	ssyncset.done $0x0;
	s16 =	smul.u32 $0x10200, s15  }
0x26: {  	s18 =	sshll.u32 s15, $0x10;
	[sflag:s4] =	ssyncadd.s32 $0xFFFFC000;
	s30 =	sshrl.u32 s17, $0x2  }
0x27: {  	s31 =	sshrl.u32 s18, $0x2;
	s18 =	simm.s32 $0x0;
	s16 =	sshrl.u32 s16, $0x2  }
0x28: {  	s15 =	sor.u32 $0x8000, s30;
	s17 =	sadd.s32 $0x20, s31;
	s16 =	sor.u32 $0x8000, s16  }
.LBB1_3:
0x29: {  	s19 =	sshll.u32 s18, $0xD  }
0x2a: {  	s19 =	sand.u32 $0x3FFFE000, s19  }
0x2b: {  	s21 =	sadd.s32 s19, s17  }
0x2c: {  	s31 =	smul.u32 $0x8100, s18;
	v3 =	vld [tilespmem:s21+$0x10]  }
0x2d: {  	v1 =	vld [tilespmem:s21+$0xFFFFFFF0]  }
0x2e: {  	s18 =	sshra.s32 s31, $0x2;
	v0 =	vld [tilespmem:s21+$0x0]  }
0x2f: {  	s18 =	sadd.s32 s18, s16;
	v2 =	vld [tilespmem:s21+$0xFFFFFFE0]  }
0x30: {  	s19 =	sadd.s32 $0x0, s18  }
0x31: {  	p1 =	por p2, p2;
	s20 =	simm.s32 $0x4;
	s21 =	sadd.s32 $0x40, s21;
	[tilespmem:s19+$0x1830 ss:$0x81] =	vst.msk $0xffff, v3  }
.LBB1_4:
0x32: {  	v3 =	vld [tilespmem:s21+$0x10];
	p2 =	sne.s32 s20, $0x1FC;
	[tilespmem:s19+$0x810 ss:$0x81] =	vst.msk $0xffff, v1;
	s22 =	smov.u32 s20;
	s20 =	sadd.s32 $0x4, s20  }
.Ltmp3:
0x33: {  	v1 =	vld [tilespmem:s21+$0xFFFFFFF0];
	[tilespmem:s19+$0x1020 ss:$0x81] =	vst.msk $0xffff, v0;
	(pc) =	sbr.rel @p2 .LBB1_4-.Ltmp3, $4  }
0x34: {  	v0 =	vld [tilespmem:s21+$0x0];
	[tilespmem:s19+$0x0 ss:$0x81] =	vst.msk $0xffff, v2  }
0x35: {  	s19 =	sshra.s32 s22, $0x2;
	v2 =	vld [tilespmem:s21+$0xFFFFFFE0]  }
0x36: {  	s19 =	sadd.s32 s19, s18  }
0x37: {  	s21 =	sadd.s32 $0x40, s21;
	[tilespmem:s19+$0x1830 ss:$0x81] =	vst.msk $0xffff, v3  }
.Ltmp4:
0x38: {  	(pc) =	sbr.rel @p1 .LBB1_3-.Ltmp4, $4  }
0x39: {  	_ = 	snop  }
0x3a: {  	[tilespmem:s19+$0x810 ss:$0x81] =	vst.msk $0xffff, v1  }
0x3b: {  	[tilespmem:s19+$0x1020 ss:$0x81] =	vst.msk $0xffff, v0  }
0x3c: {  	s18 =	simm.s32 $0x1;
	p2 =	por $0x0, $0x0;
	[tilespmem:s19+$0x0 ss:$0x81] =	vst.msk $0xffff, v2  }
0x3d: {  	s16 =	sshll.u32 s13, $0x3;
	s17 =	sand.u32 $0x78, s13;
	s14 =	sshll.u32 s14, $0x11  }
.Ltmp5:
0x3e: {  	s30 =	sand.u32 $0x1F800, s13;
	s16 =	sand.u32 $0x3C00, s16;
	(pc) =	sbr.rel .LBB1_7-.Ltmp5, $4  }
0x3f: {  	s31 =	sand.u32 $0x7, s13;
	s14 =	sadd.s32 s3, s14;
	s16 =	sor.u32 s17, s16  }
0x40: {  	s13 =	sshll.u32 s31, $0x12;
	s14 =	sadd.s32 s30, s14;
	s16 =	sshrl.u32 s16, $0x3  }
0x41: {  	s13 =	sor.u32 $0x400, s13;
	s14 =	sadd.s32 s16, s14  }
0x42: {  	[hbm4b:s14+s13] =	stream.strided.scatter [tilespmem:s15], [sflag:$0x2], $0x4000, s9, s13, $0x20;
	[tilespmem:$0x10100] =	vst v63  }
.LBB1_8:
0x43: {  	_ =	sfence.sel $0x180000  }
0x44: {  	s2 =	simm.s32 $0x1;
	[bflag:$0x0] =	sbarrier.arrive $0xFFFF  }
0x45: {  	s31 =	simm.s32 $0x2;
	[sflag:s2] =	ssyncpa.u1 $0x1  }
0x46: {  	[sflag:s31] =	ssyncpa.u1 $0x1  }
0x47: {  	p0 =	sne.s32 s0, $0x0;
	_ =	strace $0x9000004D  }
0x48: {  	s0 =	sadd.s32 @!p0 $0x100000, s1;
	[bflag:$0x2] =	sbarrier.arrive $0xFFFF  }
0x49: {  	[sflag:s0] =	ssyncadd.tile.s32 @!p0 $0x1;
	_ =	shalt  }
.Lfunc_end1:
_tile_overlayer_lowered:
.L_overlay_start_2:
0x4a: {  	(tag) =	ssettag $0x2  }
0x4b: {  	s0 =	rddreg [dreg:$0x0];
	s2 =	stileid.u32  }
0x4c: {  	s1 =	rddreg [dreg:$0x1];
	p0 =	sne.s32 s2, $0x0  }
0x4d: {  	s3 =	rddreg [dreg:$0x2];
	[bflag:$0x3] =	sbarrier.arrive $0xFFFF;
	s2 =	simm.s32 @!p0 $0x1C01  }
0x4e: {  	[timem:s3], [sflag:s2] =	dma.local @!p0 [hbm:s0], s1  }
0x4f: {  	s0 =	simm.s32 @!p0 $0x1  }
0x50: {  	_ =	swait.ge @!p0 [sflag:s0], s1  }
0x51: {  	s1 =	ssub.s32 @!p0 $0x0, s1;
	[sflag:s0] =	ssyncset.done @!p0 $0x0  }
0x52: {  	[sflag:s0] =	ssyncadd.s32 @!p0 s1  }
0x53: {  	[bflag:$0x3] =	sbarrier.arrive $0xFFFF  }
0x54: {  	_ =	shalt  }

</sc_bundles>
